<compile_context>
chip_gen: v7x
topology: tpu7x:2x2x1
jax: 0.10.2.dev20260603
libtpu: 0.0.44.dev20260713+nightly
codegen_flags: <defaults>
</compile_context>

<pallas_src>
import functools

import jax
import jax.numpy as jnp
from jax import lax
from jax.experimental import pallas as pl
from jax.experimental.pallas import tpu as pltpu
from jax.experimental.pallas import tpu_sc as plsc

_VOCAB = 1000000
_D = 64
_B = 1024
_L = 200
_MASK_ID = 103

_N = _B * _L
_CH = 128
_NW = 32
_PER_W = _N // _NW
_NCH = _PER_W // _CH


def _body(ids_hbm, p_hbm, table_hbm, out_hbm, idx_v, p_v, rows_v, out_v,
          midx_v, mrow_v, sem):
    nc = 2
    wid = lax.axis_index("s") * nc + lax.axis_index("c")
    base = wid * _PER_W

    pltpu.sync_copy(ids_hbm.at[pl.ds(base, _PER_W)], idx_v)
    pltpu.sync_copy(p_hbm.at[pl.ds(base, _PER_W)], p_v)

    midx_v[...] = jnp.full((16,), _MASK_ID, jnp.int32)
    pltpu.async_copy(table_hbm.at[midx_v], mrow_v, sem).wait()
    m = [mrow_v[0, pl.ds(k * 16, 16)] for k in range(4)]

    def chunk(g, _):
        pltpu.async_copy(
            table_hbm.at[idx_v.at[pl.ds(g * _CH, _CH)]], rows_v, sem
        ).wait()

        def group(j, _):
            pv = p_v[pl.ds(g * _CH + j * 16, 16)]
            qv = 1.0 - pv
            for k in range(16):
                p = pv[k]
                q = qv[k]
                i = j * 16 + k
                for kk in range(4):
                    out_v[pl.ds(i * _D + kk * 16, 16)] = (
                        p * m[kk] + q * rows_v[i, pl.ds(kk * 16, 16)]
                    )
            return 0

        lax.fori_loop(0, _CH // 16, group, 0)
        pltpu.sync_copy(
            out_v, out_hbm.at[pl.ds((base + g * _CH) * _D, _CH * _D)]
        )
        return 0

    lax.fori_loop(0, _NCH, chunk, 0)


@jax.jit
def _soft_mask_sc(ids_flat, p_flat, table):
    mesh = plsc.VectorSubcoreMesh(core_axis_name="c", subcore_axis_name="s")
    f = functools.partial(
        pl.kernel,
        out_type=jax.ShapeDtypeStruct((_N * _D,), jnp.float32),
        mesh=mesh,
        compiler_params=pltpu.CompilerParams(use_tc_tiling_on_sc=False),
        scratch_types=[
            pltpu.VMEM((_PER_W,), jnp.int32),
            pltpu.VMEM((_PER_W,), jnp.float32),
            pltpu.VMEM((_CH, _D), jnp.float32),
            pltpu.VMEM((_CH * _D,), jnp.float32),
            pltpu.VMEM((16,), jnp.int32),
            pltpu.VMEM((16, _D), jnp.float32),
            pltpu.SemaphoreType.DMA,
        ],
    )(_body)
    return f(ids_flat, p_flat, table)


def kernel(input_ids, detect_prob, table):
    ids_flat = input_ids.reshape(_N)
    p_flat = detect_prob.reshape(_N)
    out = _soft_mask_sc(ids_flat, p_flat, table)
    return out.reshape(_B, _L, _D)

# --- scband reference (transcript-rebuilt; emitter-appended) ---
"""Pipeline reference for scband-soft-mask-62783831933106 (READ-ONLY COPY).

The authoritative reference and input builder live on the scoring server;
editing this copy changes nothing except your own understanding.
"""

import jax, jax.numpy as jnp
import numpy as np

VOCAB = 1000000
EMBED_DIM = 64
B = 1024
L = 200
MASK_TOKEN_ID = 103


def setup_inputs(seed: int = 0) -> dict:
    key = jax.random.key(seed)
    k1, k2, k3 = jax.random.split(key, 3)
    input_ids = jax.random.randint(k1, (B, L), 0, VOCAB, dtype=jnp.int64 if jax.config.jax_enable_x64 else jnp.int32).astype(jnp.int32)
    detect_prob = jax.random.uniform(k2, (B, L), dtype=jnp.float32)
    table = jax.random.normal(k3, (VOCAB, EMBED_DIM), dtype=jnp.float32) * 0.02
    return {"input_ids": input_ids, "detect_prob": detect_prob, "table": table}


def reference(input_ids, detect_prob, table):
    # word_emb = word_embeddings(input_ids): gather rows -> [B, L, H]
    word_emb = jnp.take(table, input_ids, axis=0)
    # mask_vec = word_embeddings.weight[mask_token_id]
    mask_vec = table[MASK_TOKEN_ID]
    mask_emb = mask_vec.reshape(1, 1, -1)  # broadcast instead of expand_as
    p = detect_prob[..., None]
    soft_word_emb = p * mask_emb + (1.0 - p) * word_emb
    return soft_word_emb

if __name__ == "__main__":
    import jax
    _d = setup_inputs()
    print(jax.jit(kernel)(*tuple(_d.values())))

</pallas_src>

<mosaic_0001>
#map = affine_map<(d0, d1) -> (0)>
#map1 = affine_map<(d0, d1) -> (0, 0)>
module attributes {stable_mosaic.version = 14 : i64} {
  func.func @_body(%arg0: i32, %arg1: i32, %arg2: memref<204800xi32, #tpu.memory_space<hbm>>, %arg3: memref<204800xf32, #tpu.memory_space<hbm>>, %arg4: memref<1000000x64xf32, #tpu.memory_space<hbm>>, %arg5: memref<13107200xf32, #tpu.memory_space<hbm>>, %arg6: memref<6400xi32, #tpu.memory_space<vmem>>, %arg7: memref<6400xf32, #tpu.memory_space<vmem>>, %arg8: memref<128x64xf32, #tpu.memory_space<vmem>>, %arg9: memref<8192xf32, #tpu.memory_space<vmem>>, %arg10: memref<16xi32, #tpu.memory_space<vmem>>, %arg11: memref<16x64xf32, #tpu.memory_space<vmem>>, %arg12: memref<!tpu.dma_semaphore, #tpu.memory_space<semaphore_mem>>) attributes {dimension_semantics = [#tpu.dimension_semantics<core_parallel>, #tpu.dimension_semantics<subcore_parallel>], iteration_bounds = array<i64: 2, 16>, scalar_prefetch = 0 : i64, scratch_operands = 7 : i64, tpu.core_type = #tpu.core_type<sc_vector_subcore>, window_params = [{transform_indices = #map}, {transform_indices = #map}, {transform_indices = #map1}, {transform_indices = #map}]} {
    %mul3A = arith.constant 2 : i32
    %mul3A_0 = arith.muli %arg1, %mul3A : i32
    %add3A = arith.addi %mul3A_0, %arg0 : i32
    %mul3A_1 = arith.constant 6400 : i32
    %mul3A_2 = arith.muli %add3A, %mul3A_1 : i32
    "tpu.region"() ({
      %run_scoped3A = tpu.sem_alloc : memref<!tpu.dma_semaphore, #tpu.memory_space<semaphore_mem>>
      %dma_start3A_36 = tpu.memref_slice %arg2[%mul3A_2] : memref<204800xi32, #tpu.memory_space<hbm>> -> memref<6400xi32, #tpu.memory_space<hbm>>
      %dma_start3A_37 = tpu.memref_slice %arg2[%mul3A_2] : memref<204800xi32, #tpu.memory_space<hbm>> -> memref<6400xi32, #tpu.memory_space<hbm>>
      tpu.enqueue_dma source(%dma_start3A_37 : memref<6400xi32, #tpu.memory_space<hbm>>) target(%arg6 : memref<6400xi32, #tpu.memory_space<vmem>>) target_semaphore(%run_scoped3A : memref<!tpu.dma_semaphore, #tpu.memory_space<semaphore_mem>>)
      %dma_wait3A_38 = tpu.memref_slice %arg2[%mul3A_2] : memref<204800xi32, #tpu.memory_space<hbm>> -> memref<6400xi32, #tpu.memory_space<hbm>>
      %dma_wait3A_39 = tpu.memref_slice %arg2[%mul3A_2] : memref<204800xi32, #tpu.memory_space<hbm>> -> memref<6400xi32, #tpu.memory_space<hbm>>
      tpu.wait_dma2 semaphore(%run_scoped3A : memref<!tpu.dma_semaphore, #tpu.memory_space<semaphore_mem>>) src(%dma_wait3A_39 : memref<6400xi32, #tpu.memory_space<hbm>>) dst(%arg6 : memref<6400xi32, #tpu.memory_space<vmem>>)
      tpu.yield
    }) : () -> ()
    "tpu.region"() ({
      %run_scoped3A = tpu.sem_alloc : memref<!tpu.dma_semaphore, #tpu.memory_space<semaphore_mem>>
      %dma_start3A_36 = tpu.memref_slice %arg3[%mul3A_2] : memref<204800xf32, #tpu.memory_space<hbm>> -> memref<6400xf32, #tpu.memory_space<hbm>>
      %dma_start3A_37 = tpu.memref_slice %arg3[%mul3A_2] : memref<204800xf32, #tpu.memory_space<hbm>> -> memref<6400xf32, #tpu.memory_space<hbm>>
      tpu.enqueue_dma source(%dma_start3A_37 : memref<6400xf32, #tpu.memory_space<hbm>>) target(%arg7 : memref<6400xf32, #tpu.memory_space<vmem>>) target_semaphore(%run_scoped3A : memref<!tpu.dma_semaphore, #tpu.memory_space<semaphore_mem>>)
      %dma_wait3A_38 = tpu.memref_slice %arg3[%mul3A_2] : memref<204800xf32, #tpu.memory_space<hbm>> -> memref<6400xf32, #tpu.memory_space<hbm>>
      %dma_wait3A_39 = tpu.memref_slice %arg3[%mul3A_2] : memref<204800xf32, #tpu.memory_space<hbm>> -> memref<6400xf32, #tpu.memory_space<hbm>>
      tpu.wait_dma2 semaphore(%run_scoped3A : memref<!tpu.dma_semaphore, #tpu.memory_space<semaphore_mem>>) src(%dma_wait3A_39 : memref<6400xf32, #tpu.memory_space<hbm>>) dst(%arg7 : memref<6400xf32, #tpu.memory_space<vmem>>)
      tpu.yield
    }) : () -> ()
    %broadcast_in_dim3A = arith.constant 103 : i32
    %broadcast_in_dim3A_3 = vector.broadcast %broadcast_in_dim3A : i32 to vector<16xi32>
    %swap3A = arith.constant 0 : index
    %swap3A_4 = tpu.vector_load %arg10[%swap3A] {strides = array<i32>} : memref<16xi32, #tpu.memory_space<vmem>>, vector<16xi32>,
    %swap3A_5 = vector.shape_cast %swap3A_4 : vector<16xi32> to vector<16xi32>
    %swap3A_6 = vector.shape_cast %broadcast_in_dim3A_3 : vector<16xi32> to vector<16xi32>
    tpu.vector_store %arg10[%swap3A], %swap3A_6 {strides = array<i32>} : memref<16xi32, #tpu.memory_space<vmem>>, vector<16xi32>,
    %dma_start3A = arith.constant 0 : i32
    %dma_start3A_7 = arith.constant 0 : i32
    %dma_start3A_8 = tpu.memref_slice %arg4[%dma_start3A, %dma_start3A_7] : memref<1000000x64xf32, #tpu.memory_space<hbm>> -> memref<1000000x64xf32, #tpu.memory_space<hbm>>
    tpu.enqueue_indirect_dma source(%dma_start3A_8 : memref<1000000x64xf32, #tpu.memory_space<hbm>>) target(%arg11 : memref<16x64xf32, #tpu.memory_space<vmem>>) offsets(%arg10 : memref<16xi32, #tpu.memory_space<vmem>>) semaphore(%arg12 : memref<!tpu.dma_semaphore, #tpu.memory_space<semaphore_mem>>)
    %dma_wait3A = arith.constant 0 : i32
    %dma_wait3A_9 = arith.constant 0 : i32
    %dma_wait3A_10 = tpu.memref_slice %arg4[%dma_wait3A, %dma_wait3A_9] : memref<1000000x64xf32, #tpu.memory_space<hbm>> -> memref<1000000x64xf32, #tpu.memory_space<hbm>>
    tpu.wait_indirect_dma semaphore(%arg12 : memref<!tpu.dma_semaphore, #tpu.memory_space<semaphore_mem>>) src(%dma_wait3A_10 : memref<1000000x64xf32, #tpu.memory_space<hbm>>) dst(%arg11 : memref<16x64xf32, #tpu.memory_space<vmem>>)
    %get3A = arith.constant 0 : i32
    %get3A_11 = arith.index_cast %get3A : i32 to index
    %get3A_12 = arith.constant 0 : index
    %get3A_13 = tpu.vector_load %arg11[%get3A_11, %get3A_12] {strides = array<i32>} : memref<16x64xf32, #tpu.memory_space<vmem>>, vector<1x16xf32>,
    %get3A_14 = vector.shape_cast %get3A_13 : vector<1x16xf32> to vector<16xf32>
    %get3A_15 = arith.constant 0 : i32
    %get3A_16 = arith.index_cast %get3A_15 : i32 to index
    %get3A_17 = arith.constant 16 : index
    %get3A_18 = tpu.vector_load %arg11[%get3A_16, %get3A_17] {strides = array<i32>} : memref<16x64xf32, #tpu.memory_space<vmem>>, vector<1x16xf32>,
    %get3A_19 = vector.shape_cast %get3A_18 : vector<1x16xf32> to vector<16xf32>
    %get3A_20 = arith.constant 0 : i32
    %get3A_21 = arith.index_cast %get3A_20 : i32 to index
    %get3A_22 = arith.constant 32 : index
    %get3A_23 = tpu.vector_load %arg11[%get3A_21, %get3A_22] {strides = array<i32>} : memref<16x64xf32, #tpu.memory_space<vmem>>, vector<1x16xf32>,
    %get3A_24 = vector.shape_cast %get3A_23 : vector<1x16xf32> to vector<16xf32>
    %get3A_25 = arith.constant 0 : i32
    %get3A_26 = arith.index_cast %get3A_25 : i32 to index
    %get3A_27 = arith.constant 48 : index
    %get3A_28 = tpu.vector_load %arg11[%get3A_26, %get3A_27] {strides = array<i32>} : memref<16x64xf32, #tpu.memory_space<vmem>>, vector<1x16xf32>,
    %get3A_29 = vector.shape_cast %get3A_28 : vector<1x16xf32> to vector<16xf32>
    %scan3A = arith.constant 0 : i32
    %scan3A_30 = arith.constant 0 : i32
    %scan3A_31 = arith.constant 50 : i32
    %scan3A_32 = arith.addi %scan3A_30, %scan3A_31 : i32
    %scan3A_33 = arith.constant 1 : i32
    %scan3A_34 = scf.for %scan3A_36 = %scan3A_30 to %scan3A_32 step %scan3A_33 iter_args(%scan3A_37 = %scan3A) -> (i32)  : i32 {
      %mul3A_38 = arith.constant 128 : i32
      %mul3A_39 = arith.muli %scan3A_36, %mul3A_38 : i32
      %dma_start3A_40 = tpu.memref_slice %arg6[%mul3A_39] : memref<6400xi32, #tpu.memory_space<vmem>> -> memref<128xi32, #tpu.memory_space<vmem>>
      %dma_start3A_41 = arith.constant 0 : i32
      %dma_start3A_42 = arith.constant 0 : i32
      %dma_start3A_43 = tpu.memref_slice %arg4[%dma_start3A_41, %dma_start3A_42] : memref<1000000x64xf32, #tpu.memory_space<hbm>> -> memref<1000000x64xf32, #tpu.memory_space<hbm>>
      tpu.enqueue_indirect_dma source(%dma_start3A_43 : memref<1000000x64xf32, #tpu.memory_space<hbm>>) target(%arg8 : memref<128x64xf32, #tpu.memory_space<vmem>>) offsets(%dma_start3A_40 : memref<128xi32, #tpu.memory_space<vmem>>) semaphore(%arg12 : memref<!tpu.dma_semaphore, #tpu.memory_space<semaphore_mem>>)
      %dma_wait3A_44 = tpu.memref_slice %arg6[%mul3A_39] : memref<6400xi32, #tpu.memory_space<vmem>> -> memref<128xi32, #tpu.memory_space<vmem>>
      %dma_wait3A_45 = arith.constant 0 : i32
      %dma_wait3A_46 = arith.constant 0 : i32
      %dma_wait3A_47 = tpu.memref_slice %arg4[%dma_wait3A_45, %dma_wait3A_46] : memref<1000000x64xf32, #tpu.memory_space<hbm>> -> memref<1000000x64xf32, #tpu.memory_space<hbm>>
      tpu.wait_indirect_dma semaphore(%arg12 : memref<!tpu.dma_semaphore, #tpu.memory_space<semaphore_mem>>) src(%dma_wait3A_47 : memref<1000000x64xf32, #tpu.memory_space<hbm>>) dst(%arg8 : memref<128x64xf32, #tpu.memory_space<vmem>>)
      %scan3A_48 = arith.constant 0 : i32
      %scan3A_49 = arith.constant 0 : i32
      %scan3A_50 = arith.constant 8 : i32
      %scan3A_51 = arith.addi %scan3A_49, %scan3A_50 : i32
      %scan3A_52 = arith.constant 1 : i32
      %scan3A_53 = scf.for %scan3A_61 = %scan3A_49 to %scan3A_51 step %scan3A_52 iter_args(%scan3A_62 = %scan3A_48) -> (i32)  : i32 {
        %mul3A_63 = arith.constant 128 : i32
        %mul3A_64 = arith.muli %scan3A_36, %mul3A_63 : i32
        %mul3A_65 = arith.constant 16 : i32
        %mul3A_66 = arith.muli %scan3A_61, %mul3A_65 : i32
        %add3A_67 = arith.addi %mul3A_64, %mul3A_66 : i32
        %get3A_68 = arith.index_cast %add3A_67 : i32 to index
        %get3A_69 = tpu.vector_load %arg7[%get3A_68] {strides = array<i32>} : memref<6400xf32, #tpu.memory_space<vmem>>, vector<16xf32>,
        %get3A_70 = vector.shape_cast %get3A_69 : vector<16xf32> to vector<16xf32>
        %sub3A = arith.constant 1.000000e+00 : f32
        %sub3A_71 = vector.broadcast %sub3A : f32 to vector<16xf32>
        %sub3A_72 = arith.subf %sub3A_71, %get3A_70 : vector<16xf32>
        %slice3A = vector.extract_strided_slice %get3A_70 {offsets = [0], sizes = [1], strides = [1]} : vector<16xf32> to vector<1xf32>
        %squeeze3A = vector.extract %slice3A[0] : f32 from vector<1xf32>
        %slice3A_73 = vector.extract_strided_slice %sub3A_72 {offsets = [0], sizes = [1], strides = [1]} : vector<16xf32> to vector<1xf32>
        %squeeze3A_74 = vector.extract %slice3A_73[0] : f32 from vector<1xf32>
        %mul3A_75 = arith.constant 16 : i32
        %mul3A_76 = arith.muli %scan3A_61, %mul3A_75 : i32
        %add3A_77 = arith.constant 0 : i32
        %add3A_78 = arith.addi %mul3A_76, %add3A_77 : i32
        %mul3A_79 = vector.broadcast %squeeze3A : f32 to vector<16xf32>
        %mul3A_80 = arith.mulf %mul3A_79, %get3A_14 : vector<16xf32>
        %get3A_81 = arith.index_cast %add3A_78 : i32 to index
        %get3A_82 = arith.constant 0 : index
        %get3A_83 = tpu.vector_load %arg8[%get3A_81, %get3A_82] {strides = array<i32>} : memref<128x64xf32, #tpu.memory_space<vmem>>, vector<1x16xf32>,
        %get3A_84 = vector.shape_cast %get3A_83 : vector<1x16xf32> to vector<16xf32>
        %mul3A_85 = vector.broadcast %squeeze3A_74 : f32 to vector<16xf32>
        %mul3A_86 = arith.mulf %mul3A_85, %get3A_84 : vector<16xf32>
        %add3A_87 = arith.addf %mul3A_80, %mul3A_86 : vector<16xf32>
        %mul3A_88 = arith.constant 64 : i32
        %mul3A_89 = arith.muli %add3A_78, %mul3A_88 : i32
        %add3A_90 = arith.constant 0 : i32
        %add3A_91 = arith.addi %mul3A_89, %add3A_90 : i32
        %swap3A_92 = arith.index_cast %add3A_91 : i32 to index
        %swap3A_93 = tpu.vector_load %arg9[%swap3A_92] {strides = array<i32>} : memref<8192xf32, #tpu.memory_space<vmem>>, vector<16xf32>,
        %swap3A_94 = vector.shape_cast %swap3A_93 : vector<16xf32> to vector<16xf32>
        %swap3A_95 = vector.shape_cast %add3A_87 : vector<16xf32> to vector<16xf32>
        tpu.vector_store %arg9[%swap3A_92], %swap3A_95 {strides = array<i32>} : memref<8192xf32, #tpu.memory_space<vmem>>, vector<16xf32>,
        %mul3A_96 = vector.broadcast %squeeze3A : f32 to vector<16xf32>
        %mul3A_97 = arith.mulf %mul3A_96, %get3A_19 : vector<16xf32>
        %get3A_98 = arith.index_cast %add3A_78 : i32 to index
        %get3A_99 = arith.constant 16 : index
        %get3A_100 = tpu.vector_load %arg8[%get3A_98, %get3A_99] {strides = array<i32>} : memref<128x64xf32, #tpu.memory_space<vmem>>, vector<1x16xf32>,
        %get3A_101 = vector.shape_cast %get3A_100 : vector<1x16xf32> to vector<16xf32>
        %mul3A_102 = vector.broadcast %squeeze3A_74 : f32 to vector<16xf32>
        %mul3A_103 = arith.mulf %mul3A_102, %get3A_101 : vector<16xf32>
        %add3A_104 = arith.addf %mul3A_97, %mul3A_103 : vector<16xf32>
        %mul3A_105 = arith.constant 64 : i32
        %mul3A_106 = arith.muli %add3A_78, %mul3A_105 : i32
        %add3A_107 = arith.constant 16 : i32
        %add3A_108 = arith.addi %mul3A_106, %add3A_107 : i32
        %swap3A_109 = arith.index_cast %add3A_108 : i32 to index
        %swap3A_110 = tpu.vector_load %arg9[%swap3A_109] {strides = array<i32>} : memref<8192xf32, #tpu.memory_space<vmem>>, vector<16xf32>,
        %swap3A_111 = vector.shape_cast %swap3A_110 : vector<16xf32> to vector<16xf32>
        %swap3A_112 = vector.shape_cast %add3A_104 : vector<16xf32> to vector<16xf32>
        tpu.vector_store %arg9[%swap3A_109], %swap3A_112 {strides = array<i32>} : memref<8192xf32, #tpu.memory_space<vmem>>, vector<16xf32>,
        %mul3A_113 = vector.broadcast %squeeze3A : f32 to vector<16xf32>
        %mul3A_114 = arith.mulf %mul3A_113, %get3A_24 : vector<16xf32>
        %get3A_115 = arith.index_cast %add3A_78 : i32 to index
        %get3A_116 = arith.constant 32 : index
        %get3A_117 = tpu.vector_load %arg8[%get3A_115, %get3A_116] {strides = array<i32>} : memref<128x64xf32, #tpu.memory_space<vmem>>, vector<1x16xf32>,
        %get3A_118 = vector.shape_cast %get3A_117 : vector<1x16xf32> to vector<16xf32>
        %mul3A_119 = vector.broadcast %squeeze3A_74 : f32 to vector<16xf32>
        %mul3A_120 = arith.mulf %mul3A_119, %get3A_118 : vector<16xf32>
        %add3A_121 = arith.addf %mul3A_114, %mul3A_120 : vector<16xf32>
        %mul3A_122 = arith.constant 64 : i32
        %mul3A_123 = arith.muli %add3A_78, %mul3A_122 : i32
        %add3A_124 = arith.constant 32 : i32
        %add3A_125 = arith.addi %mul3A_123, %add3A_124 : i32
        %swap3A_126 = arith.index_cast %add3A_125 : i32 to index
        %swap3A_127 = tpu.vector_load %arg9[%swap3A_126] {strides = array<i32>} : memref<8192xf32, #tpu.memory_space<vmem>>, vector<16xf32>,
        %swap3A_128 = vector.shape_cast %swap3A_127 : vector<16xf32> to vector<16xf32>
        %swap3A_129 = vector.shape_cast %add3A_121 : vector<16xf32> to vector<16xf32>
        tpu.vector_store %arg9[%swap3A_126], %swap3A_129 {strides = array<i32>} : memref<8192xf32, #tpu.memory_space<vmem>>, vector<16xf32>,
        %mul3A_130 = vector.broadcast %squeeze3A : f32 to vector<16xf32>
        %mul3A_131 = arith.mulf %mul3A_130, %get3A_29 : vector<16xf32>
        %get3A_132 = arith.index_cast %add3A_78 : i32 to index
        %get3A_133 = arith.constant 48 : index
        %get3A_134 = tpu.vector_load %arg8[%get3A_132, %get3A_133] {strides = array<i32>} : memref<128x64xf32, #tpu.memory_space<vmem>>, vector<1x16xf32>,
        %get3A_135 = vector.shape_cast %get3A_134 : vector<1x16xf32> to vector<16xf32>
        %mul3A_136 = vector.broadcast %squeeze3A_74 : f32 to vector<16xf32>
        %mul3A_137 = arith.mulf %mul3A_136, %get3A_135 : vector<16xf32>
        %add3A_138 = arith.addf %mul3A_131, %mul3A_137 : vector<16xf32>
        %mul3A_139 = arith.constant 64 : i32
        %mul3A_140 = arith.muli %add3A_78, %mul3A_139 : i32
        %add3A_141 = arith.constant 48 : i32
        %add3A_142 = arith.addi %mul3A_140, %add3A_141 : i32
        %swap3A_143 = arith.index_cast %add3A_142 : i32 to index
        %swap3A_144 = tpu.vector_load %arg9[%swap3A_143] {strides = array<i32>} : memref<8192xf32, #tpu.memory_space<vmem>>, vector<16xf32>,
        %swap3A_145 = vector.shape_cast %swap3A_144 : vector<16xf32> to vector<16xf32>
        %swap3A_146 = vector.shape_cast %add3A_138 : vector<16xf32> to vector<16xf32>
        tpu.vector_store %arg9[%swap3A_143], %swap3A_146 {strides = array<i32>} : memref<8192xf32, #tpu.memory_space<vmem>>, vector<16xf32>,
        %slice3A_147 = vector.extract_strided_slice %get3A_70 {offsets = [1], sizes = [1], strides = [1]} : vector<16xf32> to vector<1xf32>
        %squeeze3A_148 = vector.extract %slice3A_147[0] : f32 from vector<1xf32>
        %slice3A_149 = vector.extract_strided_slice %sub3A_72 {offsets = [1], sizes = [1], strides = [1]} : vector<16xf32> to vector<1xf32>
        %squeeze3A_150 = vector.extract %slice3A_149[0] : f32 from vector<1xf32>
        %mul3A_151 = arith.constant 16 : i32
        %mul3A_152 = arith.muli %scan3A_61, %mul3A_151 : i32
        %add3A_153 = arith.constant 1 : i32
        %add3A_154 = arith.addi %mul3A_152, %add3A_153 : i32
        %mul3A_155 = vector.broadcast %squeeze3A_148 : f32 to vector<16xf32>
        %mul3A_156 = arith.mulf %mul3A_155, %get3A_14 : vector<16xf32>
        %get3A_157 = arith.index_cast %add3A_154 : i32 to index
        %get3A_158 = arith.constant 0 : index
        %get3A_159 = tpu.vector_load %arg8[%get3A_157, %get3A_158] {strides = array<i32>} : memref<128x64xf32, #tpu.memory_space<vmem>>, vector<1x16xf32>,
        %get3A_160 = vector.shape_cast %get3A_159 : vector<1x16xf32> to vector<16xf32>
        %mul3A_161 = vector.broadcast %squeeze3A_150 : f32 to vector<16xf32>
        %mul3A_162 = arith.mulf %mul3A_161, %get3A_160 : vector<16xf32>
        %add3A_163 = arith.addf %mul3A_156, %mul3A_162 : vector<16xf32>
        %mul3A_164 = arith.constant 64 : i32
        %mul3A_165 = arith.muli %add3A_154, %mul3A_164 : i32
        %add3A_166 = arith.constant 0 : i32
        %add3A_167 = arith.addi %mul3A_165, %add3A_166 : i32
        %swap3A_168 = arith.index_cast %add3A_167 : i32 to index
        %swap3A_169 = tpu.vector_load %arg9[%swap3A_168] {strides = array<i32>} : memref<8192xf32, #tpu.memory_space<vmem>>, vector<16xf32>,
        %swap3A_170 = vector.shape_cast %swap3A_169 : vector<16xf32> to vector<16xf32>
        %swap3A_171 = vector.shape_cast %add3A_163 : vector<16xf32> to vector<16xf32>
        tpu.vector_store %arg9[%swap3A_168], %swap3A_171 {strides = array<i32>} : memref<8192xf32, #tpu.memory_space<vmem>>, vector<16xf32>,
        %mul3A_172 = vector.broadcast %squeeze3A_148 : f32 to vector<16xf32>
        %mul3A_173 = arith.mulf %mul3A_172, %get3A_19 : vector<16xf32>
        %get3A_174 = arith.index_cast %add3A_154 : i32 to index
        %get3A_175 = arith.constant 16 : index
        %get3A_176 = tpu.vector_load %arg8[%get3A_174, %get3A_175] {strides = array<i32>} : memref<128x64xf32, #tpu.memory_space<vmem>>, vector<1x16xf32>,
        %get3A_177 = vector.shape_cast %get3A_176 : vector<1x16xf32> to vector<16xf32>
        %mul3A_178 = vector.broadcast %squeeze3A_150 : f32 to vector<16xf32>
        %mul3A_179 = arith.mulf %mul3A_178, %get3A_177 : vector<16xf32>
        %add3A_180 = arith.addf %mul3A_173, %mul3A_179 : vector<16xf32>
        %mul3A_181 = arith.constant 64 : i32
        %mul3A_182 = arith.muli %add3A_154, %mul3A_181 : i32
        %add3A_183 = arith.constant 16 : i32
        %add3A_184 = arith.addi %mul3A_182, %add3A_183 : i32
        %swap3A_185 = arith.index_cast %add3A_184 : i32 to index
        %swap3A_186 = tpu.vector_load %arg9[%swap3A_185] {strides = array<i32>} : memref<8192xf32, #tpu.memory_space<vmem>>, vector<16xf32>,
        %swap3A_187 = vector.shape_cast %swap3A_186 : vector<16xf32> to vector<16xf32>
        %swap3A_188 = vector.shape_cast %add3A_180 : vector<16xf32> to vector<16xf32>
        tpu.vector_store %arg9[%swap3A_185], %swap3A_188 {strides = array<i32>} : memref<8192xf32, #tpu.memory_space<vmem>>, vector<16xf32>,
        %mul3A_189 = vector.broadcast %squeeze3A_148 : f32 to vector<16xf32>
        %mul3A_190 = arith.mulf %mul3A_189, %get3A_24 : vector<16xf32>
        %get3A_191 = arith.index_cast %add3A_154 : i32 to index
        %get3A_192 = arith.constant 32 : index
        %get3A_193 = tpu.vector_load %arg8[%get3A_191, %get3A_192] {strides = array<i32>} : memref<128x64xf32, #tpu.memory_space<vmem>>, vector<1x16xf32>,
        %get3A_194 = vector.shape_cast %get3A_193 : vector<1x16xf32> to vector<16xf32>
        %mul3A_195 = vector.broadcast %squeeze3A_150 : f32 to vector<16xf32>
        %mul3A_196 = arith.mulf %mul3A_195, %get3A_194 : vector<16xf32>
        %add3A_197 = arith.addf %mul3A_190, %mul3A_196 : vector<16xf32>
        %mul3A_198 = arith.constant 64 : i32
        %mul3A_199 = arith.muli %add3A_154, %mul3A_198 : i32
        %add3A_200 = arith.constant 32 : i32
        %add3A_201 = arith.addi %mul3A_199, %add3A_200 : i32
        %swap3A_202 = arith.index_cast %add3A_201 : i32 to index
        %swap3A_203 = tpu.vector_load %arg9[%swap3A_202] {strides = array<i32>} : memref<8192xf32, #tpu.memory_space<vmem>>, vector<16xf32>,
        %swap3A_204 = vector.shape_cast %swap3A_203 : vector<16xf32> to vector<16xf32>
        %swap3A_205 = vector.shape_cast %add3A_197 : vector<16xf32> to vector<16xf32>
        tpu.vector_store %arg9[%swap3A_202], %swap3A_205 {strides = array<i32>} : memref<8192xf32, #tpu.memory_space<vmem>>, vector<16xf32>,
        %mul3A_206 = vector.broadcast %squeeze3A_148 : f32 to vector<16xf32>
        %mul3A_207 = arith.mulf %mul3A_206, %get3A_29 : vector<16xf32>
        %get3A_208 = arith.index_cast %add3A_154 : i32 to index
        %get3A_209 = arith.constant 48 : index
        %get3A_210 = tpu.vector_load %arg8[%get3A_208, %get3A_209] {strides = array<i32>} : memref<128x64xf32, #tpu.memory_space<vmem>>, vector<1x16xf32>,
        %get3A_211 = vector.shape_cast %get3A_210 : vector<1x16xf32> to vector<16xf32>
        %mul3A_212 = vector.broadcast %squeeze3A_150 : f32 to vector<16xf32>
        %mul3A_213 = arith.mulf %mul3A_212, %get3A_211 : vector<16xf32>
        %add3A_214 = arith.addf %mul3A_207, %mul3A_213 : vector<16xf32>
        %mul3A_215 = arith.constant 64 : i32
        %mul3A_216 = arith.muli %add3A_154, %mul3A_215 : i32
        %add3A_217 = arith.constant 48 : i32
        %add3A_218 = arith.addi %mul3A_216, %add3A_217 : i32
        %swap3A_219 = arith.index_cast %add3A_218 : i32 to index
        %swap3A_220 = tpu.vector_load %arg9[%swap3A_219] {strides = array<i32>} : memref<8192xf32, #tpu.memory_space<vmem>>, vector<16xf32>,
        %swap3A_221 = vector.shape_cast %swap3A_220 : vector<16xf32> to vector<16xf32>
        %swap3A_222 = vector.shape_cast %add3A_214 : vector<16xf32> to vector<16xf32>
        tpu.vector_store %arg9[%swap3A_219], %swap3A_222 {strides = array<i32>} : memref<8192xf32, #tpu.memory_space<vmem>>, vector<16xf32>,
        %slice3A_223 = vector.extract_strided_slice %get3A_70 {offsets = [2], sizes = [1], strides = [1]} : vector<16xf32> to vector<1xf32>
        %squeeze3A_224 = vector.extract %slice3A_223[0] : f32 from vector<1xf32>
        %slice3A_225 = vector.extract_strided_slice %sub3A_72 {offsets = [2], sizes = [1], strides = [1]} : vector<16xf32> to vector<1xf32>
        %squeeze3A_226 = vector.extract %slice3A_225[0] : f32 from vector<1xf32>
        %mul3A_227 = arith.constant 16 : i32
        %mul3A_228 = arith.muli %scan3A_61, %mul3A_227 : i32
        %add3A_229 = arith.constant 2 : i32
        %add3A_230 = arith.addi %mul3A_228, %add3A_229 : i32
        %mul3A_231 = vector.broadcast %squeeze3A_224 : f32 to vector<16xf32>
        %mul3A_232 = arith.mulf %mul3A_231, %get3A_14 : vector<16xf32>
        %get3A_233 = arith.index_cast %add3A_230 : i32 to index
        %get3A_234 = arith.constant 0 : index
        %get3A_235 = tpu.vector_load %arg8[%get3A_233, %get3A_234] {strides = array<i32>} : memref<128x64xf32, #tpu.memory_space<vmem>>, vector<1x16xf32>,
        %get3A_236 = vector.shape_cast %get3A_235 : vector<1x16xf32> to vector<16xf32>
        %mul3A_237 = vector.broadcast %squeeze3A_226 : f32 to vector<16xf32>
        %mul3A_238 = arith.mulf %mul3A_237, %get3A_236 : vector<16xf32>
        %add3A_239 = arith.addf %mul3A_232, %mul3A_238 : vector<16xf32>
        %mul3A_240 = arith.constant 64 : i32
        %mul3A_241 = arith.muli %add3A_230, %mul3A_240 : i32
        %add3A_242 = arith.constant 0 : i32
        %add3A_243 = arith.addi %mul3A_241, %add3A_242 : i32
        %swap3A_244 = arith.index_cast %add3A_243 : i32 to index
        %swap3A_245 = tpu.vector_load %arg9[%swap3A_244] {strides = array<i32>} : memref<8192xf32, #tpu.memory_space<vmem>>, vector<16xf32>,
        %swap3A_246 = vector.shape_cast %swap3A_245 : vector<16xf32> to vector<16xf32>
        %swap3A_247 = vector.shape_cast %add3A_239 : vector<16xf32> to vector<16xf32>
        tpu.vector_store %arg9[%swap3A_244], %swap3A_247 {strides = array<i32>} : memref<8192xf32, #tpu.memory_space<vmem>>, vector<16xf32>,
        %mul3A_248 = vector.broadcast %squeeze3A_224 : f32 to vector<16xf32>
        %mul3A_249 = arith.mulf %mul3A_248, %get3A_19 : vector<16xf32>
        %get3A_250 = arith.index_cast %add3A_230 : i32 to index
        %get3A_251 = arith.constant 16 : index
        %get3A_252 = tpu.vector_load %arg8[%get3A_250, %get3A_251] {strides = array<i32>} : memref<128x64xf32, #tpu.memory_space<vmem>>, vector<1x16xf32>,
        %get3A_253 = vector.shape_cast %get3A_252 : vector<1x16xf32> to vector<16xf32>
        %mul3A_254 = vector.broadcast %squeeze3A_226 : f32 to vector<16xf32>
        %mul3A_255 = arith.mulf %mul3A_254, %get3A_253 : vector<16xf32>
        %add3A_256 = arith.addf %mul3A_249, %mul3A_255 : vector<16xf32>
        %mul3A_257 = arith.constant 64 : i32
        %mul3A_258 = arith.muli %add3A_230, %mul3A_257 : i32
        %add3A_259 = arith.constant 16 : i32
        %add3A_260 = arith.addi %mul3A_258, %add3A_259 : i32
        %swap3A_261 = arith.index_cast %add3A_260 : i32 to index
        %swap3A_262 = tpu.vector_load %arg9[%swap3A_261] {strides = array<i32>} : memref<8192xf32, #tpu.memory_space<vmem>>, vector<16xf32>,
        %swap3A_263 = vector.shape_cast %swap3A_262 : vector<16xf32> to vector<16xf32>
        %swap3A_264 = vector.shape_cast %add3A_256 : vector<16xf32> to vector<16xf32>
        tpu.vector_store %arg9[%swap3A_261], %swap3A_264 {strides = array<i32>} : memref<8192xf32, #tpu.memory_space<vmem>>, vector<16xf32>,
        %mul3A_265 = vector.broadcast %squeeze3A_224 : f32 to vector<16xf32>
        %mul3A_266 = arith.mulf %mul3A_265, %get3A_24 : vector<16xf32>
        %get3A_267 = arith.index_cast %add3A_230 : i32 to index
        %get3A_268 = arith.constant 32 : index
        %get3A_269 = tpu.vector_load %arg8[%get3A_267, %get3A_268] {strides = array<i32>} : memref<128x64xf32, #tpu.memory_space<vmem>>, vector<1x16xf32>,
        %get3A_270 = vector.shape_cast %get3A_269 : vector<1x16xf32> to vector<16xf32>
        %mul3A_271 = vector.broadcast %squeeze3A_226 : f32 to vector<16xf32>
        %mul3A_272 = arith.mulf %mul3A_271, %get3A_270 : vector<16xf32>
        %add3A_273 = arith.addf %mul3A_266, %mul3A_272 : vector<16xf32>
        %mul3A_274 = arith.constant 64 : i32
        %mul3A_275 = arith.muli %add3A_230, %mul3A_274 : i32
        %add3A_276 = arith.constant 32 : i32
        %add3A_277 = arith.addi %mul3A_275, %add3A_276 : i32
        %swap3A_278 = arith.index_cast %add3A_277 : i32 to index
        %swap3A_279 = tpu.vector_load %arg9[%swap3A_278] {strides = array<i32>} : memref<8192xf32, #tpu.memory_space<vmem>>, vector<16xf32>,
        %swap3A_280 = vector.shape_cast %swap3A_279 : vector<16xf32> to vector<16xf32>
        %swap3A_281 = vector.shape_cast %add3A_273 : vector<16xf32> to vector<16xf32>
        tpu.vector_store %arg9[%swap3A_278], %swap3A_281 {strides = array<i32>} : memref<8192xf32, #tpu.memory_space<vmem>>, vector<16xf32>,
        %mul3A_282 = vector.broadcast %squeeze3A_224 : f32 to vector<16xf32>
        %mul3A_283 = arith.mulf %mul3A_282, %get3A_29 : vector<16xf32>
        %get3A_284 = arith.index_cast %add3A_230 : i32 to index
        %get3A_285 = arith.constant 48 : index
        %get3A_286 = tpu.vector_load %arg8[%get3A_284, %get3A_285] {strides = array<i32>} : memref<128x64xf32, #tpu.memory_space<vmem>>, vector<1x16xf32>,
        %get3A_287 = vector.shape_cast %get3A_286 : vector<1x16xf32> to vector<16xf32>
        %mul3A_288 = vector.broadcast %squeeze3A_226 : f32 to vector<16xf32>
        %mul3A_289 = arith.mulf %mul3A_288, %get3A_287 : vector<16xf32>
        %add3A_290 = arith.addf %mul3A_283, %mul3A_289 : vector<16xf32>
        %mul3A_291 = arith.constant 64 : i32
        %mul3A_292 = arith.muli %add3A_230, %mul3A_291 : i32
        %add3A_293 = arith.constant 48 : i32
        %add3A_294 = arith.addi %mul3A_292, %add3A_293 : i32
        %swap3A_295 = arith.index_cast %add3A_294 : i32 to index
        %swap3A_296 = tpu.vector_load %arg9[%swap3A_295] {strides = array<i32>} : memref<8192xf32, #tpu.memory_space<vmem>>, vector<16xf32>,
        %swap3A_297 = vector.shape_cast %swap3A_296 : vector<16xf32> to vector<16xf32>
        %swap3A_298 = vector.shape_cast %add3A_290 : vector<16xf32> to vector<16xf32>
        tpu.vector_store %arg9[%swap3A_295], %swap3A_298 {strides = array<i32>} : memref<8192xf32, #tpu.memory_space<vmem>>, vector<16xf32>,
        %slice3A_299 = vector.extract_strided_slice %get3A_70 {offsets = [3], sizes = [1], strides = [1]} : vector<16xf32> to vector<1xf32>
        %squeeze3A_300 = vector.extract %slice3A_299[0] : f32 from vector<1xf32>
        %slice3A_301 = vector.extract_strided_slice %sub3A_72 {offsets = [3], sizes = [1], strides = [1]} : vector<16xf32> to vector<1xf32>
        %squeeze3A_302 = vector.extract %slice3A_301[0] : f32 from vector<1xf32>
        %mul3A_303 = arith.constant 16 : i32
        %mul3A_304 = arith.muli %scan3A_61, %mul3A_303 : i32
        %add3A_305 = arith.constant 3 : i32
        %add3A_306 = arith.addi %mul3A_304, %add3A_305 : i32
        %mul3A_307 = vector.broadcast %squeeze3A_300 : f32 to vector<16xf32>
        %mul3A_308 = arith.mulf %mul3A_307, %get3A_14 : vector<16xf32>
        %get3A_309 = arith.index_cast %add3A_306 : i32 to index
        %get3A_310 = arith.constant 0 : index
        %get3A_311 = tpu.vector_load %arg8[%get3A_309, %get3A_310] {strides = array<i32>} : memref<128x64xf32, #tpu.memory_space<vmem>>, vector<1x16xf32>,
        %get3A_312 = vector.shape_cast %get3A_311 : vector<1x16xf32> to vector<16xf32>
        %mul3A_313 = vector.broadcast %squeeze3A_302 : f32 to vector<16xf32>
        %mul3A_314 = arith.mulf %mul3A_313, %get3A_312 : vector<16xf32>
        %add3A_315 = arith.addf %mul3A_308, %mul3A_314 : vector<16xf32>
        %mul3A_316 = arith.constant 64 : i32
        %mul3A_317 = arith.muli %add3A_306, %mul3A_316 : i32
        %add3A_318 = arith.constant 0 : i32
        %add3A_319 = arith.addi %mul3A_317, %add3A_318 : i32
        %swap3A_320 = arith.index_cast %add3A_319 : i32 to index
        %swap3A_321 = tpu.vector_load %arg9[%swap3A_320] {strides = array<i32>} : memref<8192xf32, #tpu.memory_space<vmem>>, vector<16xf32>,
        %swap3A_322 = vector.shape_cast %swap3A_321 : vector<16xf32> to vector<16xf32>
        %swap3A_323 = vector.shape_cast %add3A_315 : vector<16xf32> to vector<16xf32>
        tpu.vector_store %arg9[%swap3A_320], %swap3A_323 {strides = array<i32>} : memref<8192xf32, #tpu.memory_space<vmem>>, vector<16xf32>,
        %mul3A_324 = vector.broadcast %squeeze3A_300 : f32 to vector<16xf32>
        %mul3A_325 = arith.mulf %mul3A_324, %get3A_19 : vector<16xf32>
        %get3A_326 = arith.index_cast %add3A_306 : i32 to index
        %get3A_327 = arith.constant 16 : index
        %get3A_328 = tpu.vector_load %arg8[%get3A_326, %get3A_327] {strides = array<i32>} : memref<128x64xf32, #tpu.memory_space<vmem>>, vector<1x16xf32>,
        %get3A_329 = vector.shape_cast %get3A_328 : vector<1x16xf32> to vector<16xf32>
        %mul3A_330 = vector.broadcast %squeeze3A_302 : f32 to vector<16xf32>
        %mul3A_331 = arith.mulf %mul3A_330, %get3A_329 : vector<16xf32>
        %add3A_332 = arith.addf %mul3A_325, %mul3A_331 : vector<16xf32>
        %mul3A_333 = arith.constant 64 : i32
        %mul3A_334 = arith.muli %add3A_306, %mul3A_333 : i32
        %add3A_335 = arith.constant 16 : i32
        %add3A_336 = arith.addi %mul3A_334, %add3A_335 : i32
        %swap3A_337 = arith.index_cast %add3A_336 : i32 to index
        %swap3A_338 = tpu.vector_load %arg9[%swap3A_337] {strides = array<i32>} : memref<8192xf32, #tpu.memory_space<vmem>>, vector<16xf32>,
        %swap3A_339 = vector.shape_cast %swap3A_338 : vector<16xf32> to vector<16xf32>
        %swap3A_340 = vector.shape_cast %add3A_332 : vector<16xf32> to vector<16xf32>
        tpu.vector_store %arg9[%swap3A_337], %swap3A_340 {strides = array<i32>} : memref<8192xf32, #tpu.memory_space<vmem>>, vector<16xf32>,
        %mul3A_341 = vector.broadcast %squeeze3A_300 : f32 to vector<16xf32>
        %mul3A_342 = arith.mulf %mul3A_341, %get3A_24 : vector<16xf32>
        %get3A_343 = arith.index_cast %add3A_306 : i32 to index
        %get3A_344 = arith.constant 32 : index
        %get3A_345 = tpu.vector_load %arg8[%get3A_343, %get3A_344] {strides = array<i32>} : memref<128x64xf32, #tpu.memory_space<vmem>>, vector<1x16xf32>,
        %get3A_346 = vector.shape_cast %get3A_345 : vector<1x16xf32> to vector<16xf32>
        %mul3A_347 = vector.broadcast %squeeze3A_302 : f32 to vector<16xf32>
        %mul3A_348 = arith.mulf %mul3A_347, %get3A_346 : vector<16xf32>
        %add3A_349 = arith.addf %mul3A_342, %mul3A_348 : vector<16xf32>
        %mul3A_350 = arith.constant 64 : i32
        %mul3A_351 = arith.muli %add3A_306, %mul3A_350 : i32
        %add3A_352 = arith.constant 32 : i32
        %add3A_353 = arith.addi %mul3A_351, %add3A_352 : i32
        %swap3A_354 = arith.index_cast %add3A_353 : i32 to index
        %swap3A_355 = tpu.vector_load %arg9[%swap3A_354] {strides = array<i32>} : memref<8192xf32, #tpu.memory_space<vmem>>, vector<16xf32>,
        %swap3A_356 = vector.shape_cast %swap3A_355 : vector<16xf32> to vector<16xf32>
        %swap3A_357 = vector.shape_cast %add3A_349 : vector<16xf32> to vector<16xf32>
        tpu.vector_store %arg9[%swap3A_354], %swap3A_357 {strides = array<i32>} : memref<8192xf32, #tpu.memory_space<vmem>>, vector<16xf32>,
        %mul3A_358 = vector.broadcast %squeeze3A_300 : f32 to vector<16xf32>
        %mul3A_359 = arith.mulf %mul3A_358, %get3A_29 : vector<16xf32>
        %get3A_360 = arith.index_cast %add3A_306 : i32 to index
        %get3A_361 = arith.constant 48 : index
        %get3A_362 = tpu.vector_load %arg8[%get3A_360, %get3A_361] {strides = array<i32>} : memref<128x64xf32, #tpu.memory_space<vmem>>, vector<1x16xf32>,
        %get3A_363 = vector.shape_cast %get3A_362 : vector<1x16xf32> to vector<16xf32>
        %mul3A_364 = vector.broadcast %squeeze3A_302 : f32 to vector<16xf32>
        %mul3A_365 = arith.mulf %mul3A_364, %get3A_363 : vector<16xf32>
        %add3A_366 = arith.addf %mul3A_359, %mul3A_365 : vector<16xf32>
        %mul3A_367 = arith.constant 64 : i32
        %mul3A_368 = arith.muli %add3A_306, %mul3A_367 : i32
        %add3A_369 = arith.constant 48 : i32
        %add3A_370 = arith.addi %mul3A_368, %add3A_369 : i32
        %swap3A_371 = arith.index_cast %add3A_370 : i32 to index
        %swap3A_372 = tpu.vector_load %arg9[%swap3A_371] {strides = array<i32>} : memref<8192xf32, #tpu.memory_space<vmem>>, vector<16xf32>,
        %swap3A_373 = vector.shape_cast %swap3A_372 : vector<16xf32> to vector<16xf32>
        %swap3A_374 = vector.shape_cast %add3A_366 : vector<16xf32> to vector<16xf32>
        tpu.vector_store %arg9[%swap3A_371], %swap3A_374 {strides = array<i32>} : memref<8192xf32, #tpu.memory_space<vmem>>, vector<16xf32>,
        %slice3A_375 = vector.extract_strided_slice %get3A_70 {offsets = [4], sizes = [1], strides = [1]} : vector<16xf32> to vector<1xf32>
        %squeeze3A_376 = vector.extract %slice3A_375[0] : f32 from vector<1xf32>
        %slice3A_377 = vector.extract_strided_slice %sub3A_72 {offsets = [4], sizes = [1], strides = [1]} : vector<16xf32> to vector<1xf32>
        %squeeze3A_378 = vector.extract %slice3A_377[0] : f32 from vector<1xf32>
        %mul3A_379 = arith.constant 16 : i32
        %mul3A_380 = arith.muli %scan3A_61, %mul3A_379 : i32
        %add3A_381 = arith.constant 4 : i32
        %add3A_382 = arith.addi %mul3A_380, %add3A_381 : i32
        %mul3A_383 = vector.broadcast %squeeze3A_376 : f32 to vector<16xf32>
        %mul3A_384 = arith.mulf %mul3A_383, %get3A_14 : vector<16xf32>
        %get3A_385 = arith.index_cast %add3A_382 : i32 to index
        %get3A_386 = arith.constant 0 : index
        %get3A_387 = tpu.vector_load %arg8[%get3A_385, %get3A_386] {strides = array<i32>} : memref<128x64xf32, #tpu.memory_space<vmem>>, vector<1x16xf32>,
        %get3A_388 = vector.shape_cast %get3A_387 : vector<1x16xf32> to vector<16xf32>
        %mul3A_389 = vector.broadcast %squeeze3A_378 : f32 to vector<16xf32>
        %mul3A_390 = arith.mulf %mul3A_389, %get3A_388 : vector<16xf32>
        %add3A_391 = arith.addf %mul3A_384, %mul3A_390 : vector<16xf32>
        %mul3A_392 = arith.constant 64 : i32
        %mul3A_393 = arith.muli %add3A_382, %mul3A_392 : i32
        %add3A_394 = arith.constant 0 : i32
        %add3A_395 = arith.addi %mul3A_393, %add3A_394 : i32
        %swap3A_396 = arith.index_cast %add3A_395 : i32 to index
        %swap3A_397 = tpu.vector_load %arg9[%swap3A_396] {strides = array<i32>} : memref<8192xf32, #tpu.memory_space<vmem>>, vector<16xf32>,
        %swap3A_398 = vector.shape_cast %swap3A_397 : vector<16xf32> to vector<16xf32>
        %swap3A_399 = vector.shape_cast %add3A_391 : vector<16xf32> to vector<16xf32>
        tpu.vector_store %arg9[%swap3A_396], %swap3A_399 {strides = array<i32>} : memref<8192xf32, #tpu.memory_space<vmem>>, vector<16xf32>,
        %mul3A_400 = vector.broadcast %squeeze3A_376 : f32 to vector<16xf32>
        %mul3A_401 = arith.mulf %mul3A_400, %get3A_19 : vector<16xf32>
        %get3A_402 = arith.index_cast %add3A_382 : i32 to index
        %get3A_403 = arith.constant 16 : index
        %get3A_404 = tpu.vector_load %arg8[%get3A_402, %get3A_403] {strides = array<i32>} : memref<128x64xf32, #tpu.memory_space<vmem>>, vector<1x16xf32>,
        %get3A_405 = vector.shape_cast %get3A_404 : vector<1x16xf32> to vector<16xf32>
        %mul3A_406 = vector.broadcast %squeeze3A_378 : f32 to vector<16xf32>
        %mul3A_407 = arith.mulf %mul3A_406, %get3A_405 : vector<16xf32>
        %add3A_408 = arith.addf %mul3A_401, %mul3A_407 : vector<16xf32>
        %mul3A_409 = arith.constant 64 : i32
        %mul3A_410 = arith.muli %add3A_382, %mul3A_409 : i32
        %add3A_411 = arith.constant 16 : i32
        %add3A_412 = arith.addi %mul3A_410, %add3A_411 : i32
        %swap3A_413 = arith.index_cast %add3A_412 : i32 to index
        %swap3A_414 = tpu.vector_load %arg9[%swap3A_413] {strides = array<i32>} : memref<8192xf32, #tpu.memory_space<vmem>>, vector<16xf32>,
        %swap3A_415 = vector.shape_cast %swap3A_414 : vector<16xf32> to vector<16xf32>
        %swap3A_416 = vector.shape_cast %add3A_408 : vector<16xf32> to vector<16xf32>
        tpu.vector_store %arg9[%swap3A_413], %swap3A_416 {strides = array<i32>} : memref<8192xf32, #tpu.memory_space<vmem>>, vector<16xf32>,
        %mul3A_417 = vector.broadcast %squeeze3A_376 : f32 to vector<16xf32>
        %mul3A_418 = arith.mulf %mul3A_417, %get3A_24 : vector<16xf32>
        %get3A_419 = arith.index_cast %add3A_382 : i32 to index
        %get3A_420 = arith.constant 32 : index
        %get3A_421 = tpu.vector_load %arg8[%get3A_419, %get3A_420] {strides = array<i32>} : memref<128x64xf32, #tpu.memory_space<vmem>>, vector<1x16xf32>,
        %get3A_422 = vector.shape_cast %get3A_421 : vector<1x16xf32> to vector<16xf32>
        %mul3A_423 = vector.broadcast %squeeze3A_378 : f32 to vector<16xf32>
        %mul3A_424 = arith.mulf %mul3A_423, %get3A_422 : vector<16xf32>
        %add3A_425 = arith.addf %mul3A_418, %mul3A_424 : vector<16xf32>
        %mul3A_426 = arith.constant 64 : i32
        %mul3A_427 = arith.muli %add3A_382, %mul3A_426 : i32
        %add3A_428 = arith.constant 32 : i32
        %add3A_429 = arith.addi %mul3A_427, %add3A_428 : i32
        %swap3A_430 = arith.index_cast %add3A_429 : i32 to index
        %swap3A_431 = tpu.vector_load %arg9[%swap3A_430] {strides = array<i32>} : memref<8192xf32, #tpu.memory_space<vmem>>, vector<16xf32>,
        %swap3A_432 = vector.shape_cast %swap3A_431 : vector<16xf32> to vector<16xf32>
        %swap3A_433 = vector.shape_cast %add3A_425 : vector<16xf32> to vector<16xf32>
        tpu.vector_store %arg9[%swap3A_430], %swap3A_433 {strides = array<i32>} : memref<8192xf32, #tpu.memory_space<vmem>>, vector<16xf32>,
        %mul3A_434 = vector.broadcast %squeeze3A_376 : f32 to vector<16xf32>
        %mul3A_435 = arith.mulf %mul3A_434, %get3A_29 : vector<16xf32>
        %get3A_436 = arith.index_cast %add3A_382 : i32 to index
        %get3A_437 = arith.constant 48 : index
        %get3A_438 = tpu.vector_load %arg8[%get3A_436, %get3A_437] {strides = array<i32>} : memref<128x64xf32, #tpu.memory_space<vmem>>, vector<1x16xf32>,
        %get3A_439 = vector.shape_cast %get3A_438 : vector<1x16xf32> to vector<16xf32>
        %mul3A_440 = vector.broadcast %squeeze3A_378 : f32 to vector<16xf32>
        %mul3A_441 = arith.mulf %mul3A_440, %get3A_439 : vector<16xf32>
        %add3A_442 = arith.addf %mul3A_435, %mul3A_441 : vector<16xf32>
        %mul3A_443 = arith.constant 64 : i32
        %mul3A_444 = arith.muli %add3A_382, %mul3A_443 : i32
        %add3A_445 = arith.constant 48 : i32
        %add3A_446 = arith.addi %mul3A_444, %add3A_445 : i32
        %swap3A_447 = arith.index_cast %add3A_446 : i32 to index
        %swap3A_448 = tpu.vector_load %arg9[%swap3A_447] {strides = array<i32>} : memref<8192xf32, #tpu.memory_space<vmem>>, vector<16xf32>,
        %swap3A_449 = vector.shape_cast %swap3A_448 : vector<16xf32> to vector<16xf32>
        %swap3A_450 = vector.shape_cast %add3A_442 : vector<16xf32> to vector<16xf32>
        tpu.vector_store %arg9[%swap3A_447], %swap3A_450 {strides = array<i32>} : memref<8192xf32, #tpu.memory_space<vmem>>, vector<16xf32>,
        %slice3A_451 = vector.extract_strided_slice %get3A_70 {offsets = [5], sizes = [1], strides = [1]} : vector<16xf32> to vector<1xf32>
        %squeeze3A_452 = vector.extract %slice3A_451[0] : f32 from vector<1xf32>
        %slice3A_453 = vector.extract_strided_slice %sub3A_72 {offsets = [5], sizes = [1], strides = [1]} : vector<16xf32> to vector<1xf32>
        %squeeze3A_454 = vector.extract %slice3A_453[0] : f32 from vector<1xf32>
        %mul3A_455 = arith.constant 16 : i32
        %mul3A_456 = arith.muli %scan3A_61, %mul3A_455 : i32
        %add3A_457 = arith.constant 5 : i32
        %add3A_458 = arith.addi %mul3A_456, %add3A_457 : i32
        %mul3A_459 = vector.broadcast %squeeze3A_452 : f32 to vector<16xf32>
        %mul3A_460 = arith.mulf %mul3A_459, %get3A_14 : vector<16xf32>
        %get3A_461 = arith.index_cast %add3A_458 : i32 to index
        %get3A_462 = arith.constant 0 : index
        %get3A_463 = tpu.vector_load %arg8[%get3A_461, %get3A_462] {strides = array<i32>} : memref<128x64xf32, #tpu.memory_space<vmem>>, vector<1x16xf32>,
        %get3A_464 = vector.shape_cast %get3A_463 : vector<1x16xf32> to vector<16xf32>
        %mul3A_465 = vector.broadcast %squeeze3A_454 : f32 to vector<16xf32>
        %mul3A_466 = arith.mulf %mul3A_465, %get3A_464 : vector<16xf32>
        %add3A_467 = arith.addf %mul3A_460, %mul3A_466 : vector<16xf32>
        %mul3A_468 = arith.constant 64 : i32
        %mul3A_469 = arith.muli %add3A_458, %mul3A_468 : i32
        %add3A_470 = arith.constant 0 : i32
        %add3A_471 = arith.addi %mul3A_469, %add3A_470 : i32
        %swap3A_472 = arith.index_cast %add3A_471 : i32 to index
        %swap3A_473 = tpu.vector_load %arg9[%swap3A_472] {strides = array<i32>} : memref<8192xf32, #tpu.memory_space<vmem>>, vector<16xf32>,
        %swap3A_474 = vector.shape_cast %swap3A_473 : vector<16xf32> to vector<16xf32>
        %swap3A_475 = vector.shape_cast %add3A_467 : vector<16xf32> to vector<16xf32>
        tpu.vector_store %arg9[%swap3A_472], %swap3A_475 {strides = array<i32>} : memref<8192xf32, #tpu.memory_space<vmem>>, vector<16xf32>,
        %mul3A_476 = vector.broadcast %squeeze3A_452 : f32 to vector<16xf32>
        %mul3A_477 = arith.mulf %mul3A_476, %get3A_19 : vector<16xf32>
        %get3A_478 = arith.index_cast %add3A_458 : i32 to index
        %get3A_479 = arith.constant 16 : index
        %get3A_480 = tpu.vector_load %arg8[%get3A_478, %get3A_479] {strides = array<i32>} : memref<128x64xf32, #tpu.memory_space<vmem>>, vector<1x16xf32>,
        %get3A_481 = vector.shape_cast %get3A_480 : vector<1x16xf32> to vector<16xf32>
        %mul3A_482 = vector.broadcast %squeeze3A_454 : f32 to vector<16xf32>
        %mul3A_483 = arith.mulf %mul3A_482, %get3A_481 : vector<16xf32>
        %add3A_484 = arith.addf %mul3A_477, %mul3A_483 : vector<16xf32>
        %mul3A_485 = arith.constant 64 : i32
        %mul3A_486 = arith.muli %add3A_458, %mul3A_485 : i32
        %add3A_487 = arith.constant 16 : i32
        %add3A_488 = arith.addi %mul3A_486, %add3A_487 : i32
        %swap3A_489 = arith.index_cast %add3A_488 : i32 to index
        %swap3A_490 = tpu.vector_load %arg9[%swap3A_489] {strides = array<i32>} : memref<8192xf32, #tpu.memory_space<vmem>>, vector<16xf32>,
        %swap3A_491 = vector.shape_cast %swap3A_490 : vector<16xf32> to vector<16xf32>
        %swap3A_492 = vector.shape_cast %add3A_484 : vector<16xf32> to vector<16xf32>
        tpu.vector_store %arg9[%swap3A_489], %swap3A_492 {strides = array<i32>} : memref<8192xf32, #tpu.memory_space<vmem>>, vector<16xf32>,
        %mul3A_493 = vector.broadcast %squeeze3A_452 : f32 to vector<16xf32>
        %mul3A_494 = arith.mulf %mul3A_493, %get3A_24 : vector<16xf32>
        %get3A_495 = arith.index_cast %add3A_458 : i32 to index
        %get3A_496 = arith.constant 32 : index
        %get3A_497 = tpu.vector_load %arg8[%get3A_495, %get3A_496] {strides = array<i32>} : memref<128x64xf32, #tpu.memory_space<vmem>>, vector<1x16xf32>,
        %get3A_498 = vector.shape_cast %get3A_497 : vector<1x16xf32> to vector<16xf32>
        %mul3A_499 = vector.broadcast %squeeze3A_454 : f32 to vector<16xf32>
        %mul3A_500 = arith.mulf %mul3A_499, %get3A_498 : vector<16xf32>
        %add3A_501 = arith.addf %mul3A_494, %mul3A_500 : vector<16xf32>
        %mul3A_502 = arith.constant 64 : i32
        %mul3A_503 = arith.muli %add3A_458, %mul3A_502 : i32
        %add3A_504 = arith.constant 32 : i32
        %add3A_505 = arith.addi %mul3A_503, %add3A_504 : i32
        %swap3A_506 = arith.index_cast %add3A_505 : i32 to index
        %swap3A_507 = tpu.vector_load %arg9[%swap3A_506] {strides = array<i32>} : memref<8192xf32, #tpu.memory_space<vmem>>, vector<16xf32>,
        %swap3A_508 = vector.shape_cast %swap3A_507 : vector<16xf32> to vector<16xf32>
        %swap3A_509 = vector.shape_cast %add3A_501 : vector<16xf32> to vector<16xf32>
        tpu.vector_store %arg9[%swap3A_506], %swap3A_509 {strides = array<i32>} : memref<8192xf32, #tpu.memory_space<vmem>>, vector<16xf32>,
        %mul3A_510 = vector.broadcast %squeeze3A_452 : f32 to vector<16xf32>
        %mul3A_511 = arith.mulf %mul3A_510, %get3A_29 : vector<16xf32>
        %get3A_512 = arith.index_cast %add3A_458 : i32 to index
        %get3A_513 = arith.constant 48 : index
        %get3A_514 = tpu.vector_load %arg8[%get3A_512, %get3A_513] {strides = array<i32>} : memref<128x64xf32, #tpu.memory_space<vmem>>, vector<1x16xf32>,
        %get3A_515 = vector.shape_cast %get3A_514 : vector<1x16xf32> to vector<16xf32>
        %mul3A_516 = vector.broadcast %squeeze3A_454 : f32 to vector<16xf32>
        %mul3A_517 = arith.mulf %mul3A_516, %get3A_515 : vector<16xf32>
        %add3A_518 = arith.addf %mul3A_511, %mul3A_517 : vector<16xf32>
        %mul3A_519 = arith.constant 64 : i32
        %mul3A_520 = arith.muli %add3A_458, %mul3A_519 : i32
        %add3A_521 = arith.constant 48 : i32
        %add3A_522 = arith.addi %mul3A_520, %add3A_521 : i32
        %swap3A_523 = arith.index_cast %add3A_522 : i32 to index
        %swap3A_524 = tpu.vector_load %arg9[%swap3A_523] {strides = array<i32>} : memref<8192xf32, #tpu.memory_space<vmem>>, vector<16xf32>,
        %swap3A_525 = vector.shape_cast %swap3A_524 : vector<16xf32> to vector<16xf32>
        %swap3A_526 = vector.shape_cast %add3A_518 : vector<16xf32> to vector<16xf32>
        tpu.vector_store %arg9[%swap3A_523], %swap3A_526 {strides = array<i32>} : memref<8192xf32, #tpu.memory_space<vmem>>, vector<16xf32>,
        %slice3A_527 = vector.extract_strided_slice %get3A_70 {offsets = [6], sizes = [1], strides = [1]} : vector<16xf32> to vector<1xf32>
        %squeeze3A_528 = vector.extract %slice3A_527[0] : f32 from vector<1xf32>
        %slice3A_529 = vector.extract_strided_slice %sub3A_72 {offsets = [6], sizes = [1], strides = [1]} : vector<16xf32> to vector<1xf32>
        %squeeze3A_530 = vector.extract %slice3A_529[0] : f32 from vector<1xf32>
        %mul3A_531 = arith.constant 16 : i32
        %mul3A_532 = arith.muli %scan3A_61, %mul3A_531 : i32
        %add3A_533 = arith.constant 6 : i32
        %add3A_534 = arith.addi %mul3A_532, %add3A_533 : i32
        %mul3A_535 = vector.broadcast %squeeze3A_528 : f32 to vector<16xf32>
        %mul3A_536 = arith.mulf %mul3A_535, %get3A_14 : vector<16xf32>
        %get3A_537 = arith.index_cast %add3A_534 : i32 to index
        %get3A_538 = arith.constant 0 : index
        %get3A_539 = tpu.vector_load %arg8[%get3A_537, %get3A_538] {strides = array<i32>} : memref<128x64xf32, #tpu.memory_space<vmem>>, vector<1x16xf32>,
        %get3A_540 = vector.shape_cast %get3A_539 : vector<1x16xf32> to vector<16xf32>
        %mul3A_541 = vector.broadcast %squeeze3A_530 : f32 to vector<16xf32>
        %mul3A_542 = arith.mulf %mul3A_541, %get3A_540 : vector<16xf32>
        %add3A_543 = arith.addf %mul3A_536, %mul3A_542 : vector<16xf32>
        %mul3A_544 = arith.constant 64 : i32
        %mul3A_545 = arith.muli %add3A_534, %mul3A_544 : i32
        %add3A_546 = arith.constant 0 : i32
        %add3A_547 = arith.addi %mul3A_545, %add3A_546 : i32
        %swap3A_548 = arith.index_cast %add3A_547 : i32 to index
        %swap3A_549 = tpu.vector_load %arg9[%swap3A_548] {strides = array<i32>} : memref<8192xf32, #tpu.memory_space<vmem>>, vector<16xf32>,
        %swap3A_550 = vector.shape_cast %swap3A_549 : vector<16xf32> to vector<16xf32>
        %swap3A_551 = vector.shape_cast %add3A_543 : vector<16xf32> to vector<16xf32>
        tpu.vector_store %arg9[%swap3A_548], %swap3A_551 {strides = array<i32>} : memref<8192xf32, #tpu.memory_space<vmem>>, vector<16xf32>,
        %mul3A_552 = vector.broadcast %squeeze3A_528 : f32 to vector<16xf32>
        %mul3A_553 = arith.mulf %mul3A_552, %get3A_19 : vector<16xf32>
        %get3A_554 = arith.index_cast %add3A_534 : i32 to index
        %get3A_555 = arith.constant 16 : index
        %get3A_556 = tpu.vector_load %arg8[%get3A_554, %get3A_555] {strides = array<i32>} : memref<128x64xf32, #tpu.memory_space<vmem>>, vector<1x16xf32>,
        %get3A_557 = vector.shape_cast %get3A_556 : vector<1x16xf32> to vector<16xf32>
        %mul3A_558 = vector.broadcast %squeeze3A_530 : f32 to vector<16xf32>
        %mul3A_559 = arith.mulf %mul3A_558, %get3A_557 : vector<16xf32>
        %add3A_560 = arith.addf %mul3A_553, %mul3A_559 : vector<16xf32>
        %mul3A_561 = arith.constant 64 : i32
        %mul3A_562 = arith.muli %add3A_534, %mul3A_561 : i32
        %add3A_563 = arith.constant 16 : i32
        %add3A_564 = arith.addi %mul3A_562, %add3A_563 : i32
        %swap3A_565 = arith.index_cast %add3A_564 : i32 to index
        %swap3A_566 = tpu.vector_load %arg9[%swap3A_565] {strides = array<i32>} : memref<8192xf32, #tpu.memory_space<vmem>>, vector<16xf32>,
        %swap3A_567 = vector.shape_cast %swap3A_566 : vector<16xf32> to vector<16xf32>
        %swap3A_568 = vector.shape_cast %add3A_560 : vector<16xf32> to vector<16xf32>
        tpu.vector_store %arg9[%swap3A_565], %swap3A_568 {strides = array<i32>} : memref<8192xf32, #tpu.memory_space<vmem>>, vector<16xf32>,
        %mul3A_569 = vector.broadcast %squeeze3A_528 : f32 to vector<16xf32>
        %mul3A_570 = arith.mulf %mul3A_569, %get3A_24 : vector<16xf32>
        %get3A_571 = arith.index_cast %add3A_534 : i32 to index
        %get3A_572 = arith.constant 32 : index
        %get3A_573 = tpu.vector_load %arg8[%get3A_571, %get3A_572] {strides = array<i32>} : memref<128x64xf32, #tpu.memory_space<vmem>>, vector<1x16xf32>,
        %get3A_574 = vector.shape_cast %get3A_573 : vector<1x16xf32> to vector<16xf32>
        %mul3A_575 = vector.broadcast %squeeze3A_530 : f32 to vector<16xf32>
        %mul3A_576 = arith.mulf %mul3A_575, %get3A_574 : vector<16xf32>
        %add3A_577 = arith.addf %mul3A_570, %mul3A_576 : vector<16xf32>
        %mul3A_578 = arith.constant 64 : i32
        %mul3A_579 = arith.muli %add3A_534, %mul3A_578 : i32
        %add3A_580 = arith.constant 32 : i32
        %add3A_581 = arith.addi %mul3A_579, %add3A_580 : i32
        %swap3A_582 = arith.index_cast %add3A_581 : i32 to index
        %swap3A_583 = tpu.vector_load %arg9[%swap3A_582] {strides = array<i32>} : memref<8192xf32, #tpu.memory_space<vmem>>, vector<16xf32>,
        %swap3A_584 = vector.shape_cast %swap3A_583 : vector<16xf32> to vector<16xf32>
        %swap3A_585 = vector.shape_cast %add3A_577 : vector<16xf32> to vector<16xf32>
        tpu.vector_store %arg9[%swap3A_582], %swap3A_585 {strides = array<i32>} : memref<8192xf32, #tpu.memory_space<vmem>>, vector<16xf32>,
        %mul3A_586 = vector.broadcast %squeeze3A_528 : f32 to vector<16xf32>
        %mul3A_587 = arith.mulf %mul3A_586, %get3A_29 : vector<16xf32>
        %get3A_588 = arith.index_cast %add3A_534 : i32 to index
        %get3A_589 = arith.constant 48 : index
        %get3A_590 = tpu.vector_load %arg8[%get3A_588, %get3A_589] {strides = array<i32>} : memref<128x64xf32, #tpu.memory_space<vmem>>, vector<1x16xf32>,
        %get3A_591 = vector.shape_cast %get3A_590 : vector<1x16xf32> to vector<16xf32>
        %mul3A_592 = vector.broadcast %squeeze3A_530 : f32 to vector<16xf32>
        %mul3A_593 = arith.mulf %mul3A_592, %get3A_591 : vector<16xf32>
        %add3A_594 = arith.addf %mul3A_587, %mul3A_593 : vector<16xf32>
        %mul3A_595 = arith.constant 64 : i32
        %mul3A_596 = arith.muli %add3A_534, %mul3A_595 : i32
        %add3A_597 = arith.constant 48 : i32
        %add3A_598 = arith.addi %mul3A_596, %add3A_597 : i32
        %swap3A_599 = arith.index_cast %add3A_598 : i32 to index
        %swap3A_600 = tpu.vector_load %arg9[%swap3A_599] {strides = array<i32>} : memref<8192xf32, #tpu.memory_space<vmem>>, vector<16xf32>,
        %swap3A_601 = vector.shape_cast %swap3A_600 : vector<16xf32> to vector<16xf32>
        %swap3A_602 = vector.shape_cast %add3A_594 : vector<16xf32> to vector<16xf32>
        tpu.vector_store %arg9[%swap3A_599], %swap3A_602 {strides = array<i32>} : memref<8192xf32, #tpu.memory_space<vmem>>, vector<16xf32>,
        %slice3A_603 = vector.extract_strided_slice %get3A_70 {offsets = [7], sizes = [1], strides = [1]} : vector<16xf32> to vector<1xf32>
        %squeeze3A_604 = vector.extract %slice3A_603[0] : f32 from vector<1xf32>
        %slice3A_605 = vector.extract_strided_slice %sub3A_72 {offsets = [7], sizes = [1], strides = [1]} : vector<16xf32> to vector<1xf32>
        %squeeze3A_606 = vector.extract %slice3A_605[0] : f32 from vector<1xf32>
        %mul3A_607 = arith.constant 16 : i32
        %mul3A_608 = arith.muli %scan3A_61, %mul3A_607 : i32
        %add3A_609 = arith.constant 7 : i32
        %add3A_610 = arith.addi %mul3A_608, %add3A_609 : i32
        %mul3A_611 = vector.broadcast %squeeze3A_604 : f32 to vector<16xf32>
        %mul3A_612 = arith.mulf %mul3A_611, %get3A_14 : vector<16xf32>
        %get3A_613 = arith.index_cast %add3A_610 : i32 to index
        %get3A_614 = arith.constant 0 : index
        %get3A_615 = tpu.vector_load %arg8[%get3A_613, %get3A_614] {strides = array<i32>} : memref<128x64xf32, #tpu.memory_space<vmem>>, vector<1x16xf32>,
        %get3A_616 = vector.shape_cast %get3A_615 : vector<1x16xf32> to vector<16xf32>
        %mul3A_617 = vector.broadcast %squeeze3A_606 : f32 to vector<16xf32>
        %mul3A_618 = arith.mulf %mul3A_617, %get3A_616 : vector<16xf32>
        %add3A_619 = arith.addf %mul3A_612, %mul3A_618 : vector<16xf32>
        %mul3A_620 = arith.constant 64 : i32
        %mul3A_621 = arith.muli %add3A_610, %mul3A_620 : i32
        %add3A_622 = arith.constant 0 : i32
        %add3A_623 = arith.addi %mul3A_621, %add3A_622 : i32
        %swap3A_624 = arith.index_cast %add3A_623 : i32 to index
        %swap3A_625 = tpu.vector_load %arg9[%swap3A_624] {strides = array<i32>} : memref<8192xf32, #tpu.memory_space<vmem>>, vector<16xf32>,
        %swap3A_626 = vector.shape_cast %swap3A_625 : vector<16xf32> to vector<16xf32>
        %swap3A_627 = vector.shape_cast %add3A_619 : vector<16xf32> to vector<16xf32>
        tpu.vector_store %arg9[%swap3A_624], %swap3A_627 {strides = array<i32>} : memref<8192xf32, #tpu.memory_space<vmem>>, vector<16xf32>,
        %mul3A_628 = vector.broadcast %squeeze3A_604 : f32 to vector<16xf32>
        %mul3A_629 = arith.mulf %mul3A_628, %get3A_19 : vector<16xf32>
        %get3A_630 = arith.index_cast %add3A_610 : i32 to index
        %get3A_631 = arith.constant 16 : index
        %get3A_632 = tpu.vector_load %arg8[%get3A_630, %get3A_631] {strides = array<i32>} : memref<128x64xf32, #tpu.memory_space<vmem>>, vector<1x16xf32>,
        %get3A_633 = vector.shape_cast %get3A_632 : vector<1x16xf32> to vector<16xf32>
        %mul3A_634 = vector.broadcast %squeeze3A_606 : f32 to vector<16xf32>
        %mul3A_635 = arith.mulf %mul3A_634, %get3A_633 : vector<16xf32>
        %add3A_636 = arith.addf %mul3A_629, %mul3A_635 : vector<16xf32>
        %mul3A_637 = arith.constant 64 : i32
        %mul3A_638 = arith.muli %add3A_610, %mul3A_637 : i32
        %add3A_639 = arith.constant 16 : i32
        %add3A_640 = arith.addi %mul3A_638, %add3A_639 : i32
        %swap3A_641 = arith.index_cast %add3A_640 : i32 to index
        %swap3A_642 = tpu.vector_load %arg9[%swap3A_641] {strides = array<i32>} : memref<8192xf32, #tpu.memory_space<vmem>>, vector<16xf32>,
        %swap3A_643 = vector.shape_cast %swap3A_642 : vector<16xf32> to vector<16xf32>
        %swap3A_644 = vector.shape_cast %add3A_636 : vector<16xf32> to vector<16xf32>
        tpu.vector_store %arg9[%swap3A_641], %swap3A_644 {strides = array<i32>} : memref<8192xf32, #tpu.memory_space<vmem>>, vector<16xf32>,
        %mul3A_645 = vector.broadcast %squeeze3A_604 : f32 to vector<16xf32>
        %mul3A_646 = arith.mulf %mul3A_645, %get3A_24 : vector<16xf32>
        %get3A_647 = arith.index_cast %add3A_610 : i32 to index
        %get3A_648 = arith.constant 32 : index
        %get3A_649 = tpu.vector_load %arg8[%get3A_647, %get3A_648] {strides = array<i32>} : memref<128x64xf32, #tpu.memory_space<vmem>>, vector<1x16xf32>,
        %get3A_650 = vector.shape_cast %get3A_649 : vector<1x16xf32> to vector<16xf32>
        %mul3A_651 = vector.broadcast %squeeze3A_606 : f32 to vector<16xf32>
        %mul3A_652 = arith.mulf %mul3A_651, %get3A_650 : vector<16xf32>
        %add3A_653 = arith.addf %mul3A_646, %mul3A_652 : vector<16xf32>
        %mul3A_654 = arith.constant 64 : i32
        %mul3A_655 = arith.muli %add3A_610, %mul3A_654 : i32
        %add3A_656 = arith.constant 32 : i32
        %add3A_657 = arith.addi %mul3A_655, %add3A_656 : i32
        %swap3A_658 = arith.index_cast %add3A_657 : i32 to index
        %swap3A_659 = tpu.vector_load %arg9[%swap3A_658] {strides = array<i32>} : memref<8192xf32, #tpu.memory_space<vmem>>, vector<16xf32>,
        %swap3A_660 = vector.shape_cast %swap3A_659 : vector<16xf32> to vector<16xf32>
        %swap3A_661 = vector.shape_cast %add3A_653 : vector<16xf32> to vector<16xf32>
        tpu.vector_store %arg9[%swap3A_658], %swap3A_661 {strides = array<i32>} : memref<8192xf32, #tpu.memory_space<vmem>>, vector<16xf32>,
        %mul3A_662 = vector.broadcast %squeeze3A_604 : f32 to vector<16xf32>
        %mul3A_663 = arith.mulf %mul3A_662, %get3A_29 : vector<16xf32>
        %get3A_664 = arith.index_cast %add3A_610 : i32 to index
        %get3A_665 = arith.constant 48 : index
        %get3A_666 = tpu.vector_load %arg8[%get3A_664, %get3A_665] {strides = array<i32>} : memref<128x64xf32, #tpu.memory_space<vmem>>, vector<1x16xf32>,
        %get3A_667 = vector.shape_cast %get3A_666 : vector<1x16xf32> to vector<16xf32>
        %mul3A_668 = vector.broadcast %squeeze3A_606 : f32 to vector<16xf32>
        %mul3A_669 = arith.mulf %mul3A_668, %get3A_667 : vector<16xf32>
        %add3A_670 = arith.addf %mul3A_663, %mul3A_669 : vector<16xf32>
        %mul3A_671 = arith.constant 64 : i32
        %mul3A_672 = arith.muli %add3A_610, %mul3A_671 : i32
        %add3A_673 = arith.constant 48 : i32
        %add3A_674 = arith.addi %mul3A_672, %add3A_673 : i32
        %swap3A_675 = arith.index_cast %add3A_674 : i32 to index
        %swap3A_676 = tpu.vector_load %arg9[%swap3A_675] {strides = array<i32>} : memref<8192xf32, #tpu.memory_space<vmem>>, vector<16xf32>,
        %swap3A_677 = vector.shape_cast %swap3A_676 : vector<16xf32> to vector<16xf32>
        %swap3A_678 = vector.shape_cast %add3A_670 : vector<16xf32> to vector<16xf32>
        tpu.vector_store %arg9[%swap3A_675], %swap3A_678 {strides = array<i32>} : memref<8192xf32, #tpu.memory_space<vmem>>, vector<16xf32>,
        %slice3A_679 = vector.extract_strided_slice %get3A_70 {offsets = [8], sizes = [1], strides = [1]} : vector<16xf32> to vector<1xf32>
        %squeeze3A_680 = vector.extract %slice3A_679[0] : f32 from vector<1xf32>
        %slice3A_681 = vector.extract_strided_slice %sub3A_72 {offsets = [8], sizes = [1], strides = [1]} : vector<16xf32> to vector<1xf32>
        %squeeze3A_682 = vector.extract %slice3A_681[0] : f32 from vector<1xf32>
        %mul3A_683 = arith.constant 16 : i32
        %mul3A_684 = arith.muli %scan3A_61, %mul3A_683 : i32
        %add3A_685 = arith.constant 8 : i32
        %add3A_686 = arith.addi %mul3A_684, %add3A_685 : i32
        %mul3A_687 = vector.broadcast %squeeze3A_680 : f32 to vector<16xf32>
        %mul3A_688 = arith.mulf %mul3A_687, %get3A_14 : vector<16xf32>
        %get3A_689 = arith.index_cast %add3A_686 : i32 to index
        %get3A_690 = arith.constant 0 : index
        %get3A_691 = tpu.vector_load %arg8[%get3A_689, %get3A_690] {strides = array<i32>} : memref<128x64xf32, #tpu.memory_space<vmem>>, vector<1x16xf32>,
        %get3A_692 = vector.shape_cast %get3A_691 : vector<1x16xf32> to vector<16xf32>
        %mul3A_693 = vector.broadcast %squeeze3A_682 : f32 to vector<16xf32>
        %mul3A_694 = arith.mulf %mul3A_693, %get3A_692 : vector<16xf32>
        %add3A_695 = arith.addf %mul3A_688, %mul3A_694 : vector<16xf32>
        %mul3A_696 = arith.constant 64 : i32
        %mul3A_697 = arith.muli %add3A_686, %mul3A_696 : i32
        %add3A_698 = arith.constant 0 : i32
        %add3A_699 = arith.addi %mul3A_697, %add3A_698 : i32
        %swap3A_700 = arith.index_cast %add3A_699 : i32 to index
        %swap3A_701 = tpu.vector_load %arg9[%swap3A_700] {strides = array<i32>} : memref<8192xf32, #tpu.memory_space<vmem>>, vector<16xf32>,
        %swap3A_702 = vector.shape_cast %swap3A_701 : vector<16xf32> to vector<16xf32>
        %swap3A_703 = vector.shape_cast %add3A_695 : vector<16xf32> to vector<16xf32>
        tpu.vector_store %arg9[%swap3A_700], %swap3A_703 {strides = array<i32>} : memref<8192xf32, #tpu.memory_space<vmem>>, vector<16xf32>,
        %mul3A_704 = vector.broadcast %squeeze3A_680 : f32 to vector<16xf32>
        %mul3A_705 = arith.mulf %mul3A_704, %get3A_19 : vector<16xf32>
        %get3A_706 = arith.index_cast %add3A_686 : i32 to index
        %get3A_707 = arith.constant 16 : index
        %get3A_708 = tpu.vector_load %arg8[%get3A_706, %get3A_707] {strides = array<i32>} : memref<128x64xf32, #tpu.memory_space<vmem>>, vector<1x16xf32>,
        %get3A_709 = vector.shape_cast %get3A_708 : vector<1x16xf32> to vector<16xf32>
        %mul3A_710 = vector.broadcast %squeeze3A_682 : f32 to vector<16xf32>
        %mul3A_711 = arith.mulf %mul3A_710, %get3A_709 : vector<16xf32>
        %add3A_712 = arith.addf %mul3A_705, %mul3A_711 : vector<16xf32>
        %mul3A_713 = arith.constant 64 : i32
        %mul3A_714 = arith.muli %add3A_686, %mul3A_713 : i32
        %add3A_715 = arith.constant 16 : i32
        %add3A_716 = arith.addi %mul3A_714, %add3A_715 : i32
        %swap3A_717 = arith.index_cast %add3A_716 : i32 to index
        %swap3A_718 = tpu.vector_load %arg9[%swap3A_717] {strides = array<i32>} : memref<8192xf32, #tpu.memory_space<vmem>>, vector<16xf32>,
        %swap3A_719 = vector.shape_cast %swap3A_718 : vector<16xf32> to vector<16xf32>
        %swap3A_720 = vector.shape_cast %add3A_712 : vector<16xf32> to vector<16xf32>
        tpu.vector_store %arg9[%swap3A_717], %swap3A_720 {strides = array<i32>} : memref<8192xf32, #tpu.memory_space<vmem>>, vector<16xf32>,
        %mul3A_721 = vector.broadcast %squeeze3A_680 : f32 to vector<16xf32>
        %mul3A_722 = arith.mulf %mul3A_721, %get3A_24 : vector<16xf32>
        %get3A_723 = arith.index_cast %add3A_686 : i32 to index
        %get3A_724 = arith.constant 32 : index
        %get3A_725 = tpu.vector_load %arg8[%get3A_723, %get3A_724] {strides = array<i32>} : memref<128x64xf32, #tpu.memory_space<vmem>>, vector<1x16xf32>,
        %get3A_726 = vector.shape_cast %get3A_725 : vector<1x16xf32> to vector<16xf32>
        %mul3A_727 = vector.broadcast %squeeze3A_682 : f32 to vector<16xf32>
        %mul3A_728 = arith.mulf %mul3A_727, %get3A_726 : vector<16xf32>
        %add3A_729 = arith.addf %mul3A_722, %mul3A_728 : vector<16xf32>
        %mul3A_730 = arith.constant 64 : i32
        %mul3A_731 = arith.muli %add3A_686, %mul3A_730 : i32
        %add3A_732 = arith.constant 32 : i32
        %add3A_733 = arith.addi %mul3A_731, %add3A_732 : i32
        %swap3A_734 = arith.index_cast %add3A_733 : i32 to index
        %swap3A_735 = tpu.vector_load %arg9[%swap3A_734] {strides = array<i32>} : memref<8192xf32, #tpu.memory_space<vmem>>, vector<16xf32>,
        %swap3A_736 = vector.shape_cast %swap3A_735 : vector<16xf32> to vector<16xf32>
        %swap3A_737 = vector.shape_cast %add3A_729 : vector<16xf32> to vector<16xf32>
        tpu.vector_store %arg9[%swap3A_734], %swap3A_737 {strides = array<i32>} : memref<8192xf32, #tpu.memory_space<vmem>>, vector<16xf32>,
        %mul3A_738 = vector.broadcast %squeeze3A_680 : f32 to vector<16xf32>
        %mul3A_739 = arith.mulf %mul3A_738, %get3A_29 : vector<16xf32>
        %get3A_740 = arith.index_cast %add3A_686 : i32 to index
        %get3A_741 = arith.constant 48 : index
        %get3A_742 = tpu.vector_load %arg8[%get3A_740, %get3A_741] {strides = array<i32>} : memref<128x64xf32, #tpu.memory_space<vmem>>, vector<1x16xf32>,
        %get3A_743 = vector.shape_cast %get3A_742 : vector<1x16xf32> to vector<16xf32>
        %mul3A_744 = vector.broadcast %squeeze3A_682 : f32 to vector<16xf32>
        %mul3A_745 = arith.mulf %mul3A_744, %get3A_743 : vector<16xf32>
        %add3A_746 = arith.addf %mul3A_739, %mul3A_745 : vector<16xf32>
        %mul3A_747 = arith.constant 64 : i32
        %mul3A_748 = arith.muli %add3A_686, %mul3A_747 : i32
        %add3A_749 = arith.constant 48 : i32
        %add3A_750 = arith.addi %mul3A_748, %add3A_749 : i32
        %swap3A_751 = arith.index_cast %add3A_750 : i32 to index
        %swap3A_752 = tpu.vector_load %arg9[%swap3A_751] {strides = array<i32>} : memref<8192xf32, #tpu.memory_space<vmem>>, vector<16xf32>,
        %swap3A_753 = vector.shape_cast %swap3A_752 : vector<16xf32> to vector<16xf32>
        %swap3A_754 = vector.shape_cast %add3A_746 : vector<16xf32> to vector<16xf32>
        tpu.vector_store %arg9[%swap3A_751], %swap3A_754 {strides = array<i32>} : memref<8192xf32, #tpu.memory_space<vmem>>, vector<16xf32>,
        %slice3A_755 = vector.extract_strided_slice %get3A_70 {offsets = [9], sizes = [1], strides = [1]} : vector<16xf32> to vector<1xf32>
        %squeeze3A_756 = vector.extract %slice3A_755[0] : f32 from vector<1xf32>
        %slice3A_757 = vector.extract_strided_slice %sub3A_72 {offsets = [9], sizes = [1], strides = [1]} : vector<16xf32> to vector<1xf32>
        %squeeze3A_758 = vector.extract %slice3A_757[0] : f32 from vector<1xf32>
        %mul3A_759 = arith.constant 16 : i32
        %mul3A_760 = arith.muli %scan3A_61, %mul3A_759 : i32
        %add3A_761 = arith.constant 9 : i32
        %add3A_762 = arith.addi %mul3A_760, %add3A_761 : i32
        %mul3A_763 = vector.broadcast %squeeze3A_756 : f32 to vector<16xf32>
        %mul3A_764 = arith.mulf %mul3A_763, %get3A_14 : vector<16xf32>
        %get3A_765 = arith.index_cast %add3A_762 : i32 to index
        %get3A_766 = arith.constant 0 : index
        %get3A_767 = tpu.vector_load %arg8[%get3A_765, %get3A_766] {strides = array<i32>} : memref<128x64xf32, #tpu.memory_space<vmem>>, vector<1x16xf32>,
        %get3A_768 = vector.shape_cast %get3A_767 : vector<1x16xf32> to vector<16xf32>
        %mul3A_769 = vector.broadcast %squeeze3A_758 : f32 to vector<16xf32>
        %mul3A_770 = arith.mulf %mul3A_769, %get3A_768 : vector<16xf32>
        %add3A_771 = arith.addf %mul3A_764, %mul3A_770 : vector<16xf32>
        %mul3A_772 = arith.constant 64 : i32
        %mul3A_773 = arith.muli %add3A_762, %mul3A_772 : i32
        %add3A_774 = arith.constant 0 : i32
        %add3A_775 = arith.addi %mul3A_773, %add3A_774 : i32
        %swap3A_776 = arith.index_cast %add3A_775 : i32 to index
        %swap3A_777 = tpu.vector_load %arg9[%swap3A_776] {strides = array<i32>} : memref<8192xf32, #tpu.memory_space<vmem>>, vector<16xf32>,
        %swap3A_778 = vector.shape_cast %swap3A_777 : vector<16xf32> to vector<16xf32>
        %swap3A_779 = vector.shape_cast %add3A_771 : vector<16xf32> to vector<16xf32>
        tpu.vector_store %arg9[%swap3A_776], %swap3A_779 {strides = array<i32>} : memref<8192xf32, #tpu.memory_space<vmem>>, vector<16xf32>,
        %mul3A_780 = vector.broadcast %squeeze3A_756 : f32 to vector<16xf32>
        %mul3A_781 = arith.mulf %mul3A_780, %get3A_19 : vector<16xf32>
        %get3A_782 = arith.index_cast %add3A_762 : i32 to index
        %get3A_783 = arith.constant 16 : index
        %get3A_784 = tpu.vector_load %arg8[%get3A_782, %get3A_783] {strides = array<i32>} : memref<128x64xf32, #tpu.memory_space<vmem>>, vector<1x16xf32>,
        %get3A_785 = vector.shape_cast %get3A_784 : vector<1x16xf32> to vector<16xf32>
        %mul3A_786 = vector.broadcast %squeeze3A_758 : f32 to vector<16xf32>
        %mul3A_787 = arith.mulf %mul3A_786, %get3A_785 : vector<16xf32>
        %add3A_788 = arith.addf %mul3A_781, %mul3A_787 : vector<16xf32>
        %mul3A_789 = arith.constant 64 : i32
        %mul3A_790 = arith.muli %add3A_762, %mul3A_789 : i32
        %add3A_791 = arith.constant 16 : i32
        %add3A_792 = arith.addi %mul3A_790, %add3A_791 : i32
        %swap3A_793 = arith.index_cast %add3A_792 : i32 to index
        %swap3A_794 = tpu.vector_load %arg9[%swap3A_793] {strides = array<i32>} : memref<8192xf32, #tpu.memory_space<vmem>>, vector<16xf32>,
        %swap3A_795 = vector.shape_cast %swap3A_794 : vector<16xf32> to vector<16xf32>
        %swap3A_796 = vector.shape_cast %add3A_788 : vector<16xf32> to vector<16xf32>
        tpu.vector_store %arg9[%swap3A_793], %swap3A_796 {strides = array<i32>} : memref<8192xf32, #tpu.memory_space<vmem>>, vector<16xf32>,
        %mul3A_797 = vector.broadcast %squeeze3A_756 : f32 to vector<16xf32>
        %mul3A_798 = arith.mulf %mul3A_797, %get3A_24 : vector<16xf32>
        %get3A_799 = arith.index_cast %add3A_762 : i32 to index
        %get3A_800 = arith.constant 32 : index
        %get3A_801 = tpu.vector_load %arg8[%get3A_799, %get3A_800] {strides = array<i32>} : memref<128x64xf32, #tpu.memory_space<vmem>>, vector<1x16xf32>,
        %get3A_802 = vector.shape_cast %get3A_801 : vector<1x16xf32> to vector<16xf32>
        %mul3A_803 = vector.broadcast %squeeze3A_758 : f32 to vector<16xf32>
        %mul3A_804 = arith.mulf %mul3A_803, %get3A_802 : vector<16xf32>
        %add3A_805 = arith.addf %mul3A_798, %mul3A_804 : vector<16xf32>
        %mul3A_806 = arith.constant 64 : i32
        %mul3A_807 = arith.muli %add3A_762, %mul3A_806 : i32
        %add3A_808 = arith.constant 32 : i32
        %add3A_809 = arith.addi %mul3A_807, %add3A_808 : i32
        %swap3A_810 = arith.index_cast %add3A_809 : i32 to index
        %swap3A_811 = tpu.vector_load %arg9[%swap3A_810] {strides = array<i32>} : memref<8192xf32, #tpu.memory_space<vmem>>, vector<16xf32>,
        %swap3A_812 = vector.shape_cast %swap3A_811 : vector<16xf32> to vector<16xf32>
        %swap3A_813 = vector.shape_cast %add3A_805 : vector<16xf32> to vector<16xf32>
        tpu.vector_store %arg9[%swap3A_810], %swap3A_813 {strides = array<i32>} : memref<8192xf32, #tpu.memory_space<vmem>>, vector<16xf32>,
        %mul3A_814 = vector.broadcast %squeeze3A_756 : f32 to vector<16xf32>
        %mul3A_815 = arith.mulf %mul3A_814, %get3A_29 : vector<16xf32>
        %get3A_816 = arith.index_cast %add3A_762 : i32 to index
        %get3A_817 = arith.constant 48 : index
        %get3A_818 = tpu.vector_load %arg8[%get3A_816, %get3A_817] {strides = array<i32>} : memref<128x64xf32, #tpu.memory_space<vmem>>, vector<1x16xf32>,
        %get3A_819 = vector.shape_cast %get3A_818 : vector<1x16xf32> to vector<16xf32>
        %mul3A_820 = vector.broadcast %squeeze3A_758 : f32 to vector<16xf32>
        %mul3A_821 = arith.mulf %mul3A_820, %get3A_819 : vector<16xf32>
        %add3A_822 = arith.addf %mul3A_815, %mul3A_821 : vector<16xf32>
        %mul3A_823 = arith.constant 64 : i32
        %mul3A_824 = arith.muli %add3A_762, %mul3A_823 : i32
        %add3A_825 = arith.constant 48 : i32
        %add3A_826 = arith.addi %mul3A_824, %add3A_825 : i32
        %swap3A_827 = arith.index_cast %add3A_826 : i32 to index
        %swap3A_828 = tpu.vector_load %arg9[%swap3A_827] {strides = array<i32>} : memref<8192xf32, #tpu.memory_space<vmem>>, vector<16xf32>,
        %swap3A_829 = vector.shape_cast %swap3A_828 : vector<16xf32> to vector<16xf32>
        %swap3A_830 = vector.shape_cast %add3A_822 : vector<16xf32> to vector<16xf32>
        tpu.vector_store %arg9[%swap3A_827], %swap3A_830 {strides = array<i32>} : memref<8192xf32, #tpu.memory_space<vmem>>, vector<16xf32>,
        %slice3A_831 = vector.extract_strided_slice %get3A_70 {offsets = [10], sizes = [1], strides = [1]} : vector<16xf32> to vector<1xf32>
        %squeeze3A_832 = vector.extract %slice3A_831[0] : f32 from vector<1xf32>
        %slice3A_833 = vector.extract_strided_slice %sub3A_72 {offsets = [10], sizes = [1], strides = [1]} : vector<16xf32> to vector<1xf32>
        %squeeze3A_834 = vector.extract %slice3A_833[0] : f32 from vector<1xf32>
        %mul3A_835 = arith.constant 16 : i32
        %mul3A_836 = arith.muli %scan3A_61, %mul3A_835 : i32
        %add3A_837 = arith.constant 10 : i32
        %add3A_838 = arith.addi %mul3A_836, %add3A_837 : i32
        %mul3A_839 = vector.broadcast %squeeze3A_832 : f32 to vector<16xf32>
        %mul3A_840 = arith.mulf %mul3A_839, %get3A_14 : vector<16xf32>
        %get3A_841 = arith.index_cast %add3A_838 : i32 to index
        %get3A_842 = arith.constant 0 : index
        %get3A_843 = tpu.vector_load %arg8[%get3A_841, %get3A_842] {strides = array<i32>} : memref<128x64xf32, #tpu.memory_space<vmem>>, vector<1x16xf32>,
        %get3A_844 = vector.shape_cast %get3A_843 : vector<1x16xf32> to vector<16xf32>
        %mul3A_845 = vector.broadcast %squeeze3A_834 : f32 to vector<16xf32>
        %mul3A_846 = arith.mulf %mul3A_845, %get3A_844 : vector<16xf32>
        %add3A_847 = arith.addf %mul3A_840, %mul3A_846 : vector<16xf32>
        %mul3A_848 = arith.constant 64 : i32
        %mul3A_849 = arith.muli %add3A_838, %mul3A_848 : i32
        %add3A_850 = arith.constant 0 : i32
        %add3A_851 = arith.addi %mul3A_849, %add3A_850 : i32
        %swap3A_852 = arith.index_cast %add3A_851 : i32 to index
        %swap3A_853 = tpu.vector_load %arg9[%swap3A_852] {strides = array<i32>} : memref<8192xf32, #tpu.memory_space<vmem>>, vector<16xf32>,
        %swap3A_854 = vector.shape_cast %swap3A_853 : vector<16xf32> to vector<16xf32>
        %swap3A_855 = vector.shape_cast %add3A_847 : vector<16xf32> to vector<16xf32>
        tpu.vector_store %arg9[%swap3A_852], %swap3A_855 {strides = array<i32>} : memref<8192xf32, #tpu.memory_space<vmem>>, vector<16xf32>,
        %mul3A_856 = vector.broadcast %squeeze3A_832 : f32 to vector<16xf32>
        %mul3A_857 = arith.mulf %mul3A_856, %get3A_19 : vector<16xf32>
        %get3A_858 = arith.index_cast %add3A_838 : i32 to index
        %get3A_859 = arith.constant 16 : index
        %get3A_860 = tpu.vector_load %arg8[%get3A_858, %get3A_859] {strides = array<i32>} : memref<128x64xf32, #tpu.memory_space<vmem>>, vector<1x16xf32>,
        %get3A_861 = vector.shape_cast %get3A_860 : vector<1x16xf32> to vector<16xf32>
        %mul3A_862 = vector.broadcast %squeeze3A_834 : f32 to vector<16xf32>
        %mul3A_863 = arith.mulf %mul3A_862, %get3A_861 : vector<16xf32>
        %add3A_864 = arith.addf %mul3A_857, %mul3A_863 : vector<16xf32>
        %mul3A_865 = arith.constant 64 : i32
        %mul3A_866 = arith.muli %add3A_838, %mul3A_865 : i32
        %add3A_867 = arith.constant 16 : i32
        %add3A_868 = arith.addi %mul3A_866, %add3A_867 : i32
        %swap3A_869 = arith.index_cast %add3A_868 : i32 to index
        %swap3A_870 = tpu.vector_load %arg9[%swap3A_869] {strides = array<i32>} : memref<8192xf32, #tpu.memory_space<vmem>>, vector<16xf32>,
        %swap3A_871 = vector.shape_cast %swap3A_870 : vector<16xf32> to vector<16xf32>
        %swap3A_872 = vector.shape_cast %add3A_864 : vector<16xf32> to vector<16xf32>
        tpu.vector_store %arg9[%swap3A_869], %swap3A_872 {strides = array<i32>} : memref<8192xf32, #tpu.memory_space<vmem>>, vector<16xf32>,
        %mul3A_873 = vector.broadcast %squeeze3A_832 : f32 to vector<16xf32>
        %mul3A_874 = arith.mulf %mul3A_873, %get3A_24 : vector<16xf32>
        %get3A_875 = arith.index_cast %add3A_838 : i32 to index
        %get3A_876 = arith.constant 32 : index
        %get3A_877 = tpu.vector_load %arg8[%get3A_875, %get3A_876] {strides = array<i32>} : memref<128x64xf32, #tpu.memory_space<vmem>>, vector<1x16xf32>,
        %get3A_878 = vector.shape_cast %get3A_877 : vector<1x16xf32> to vector<16xf32>
        %mul3A_879 = vector.broadcast %squeeze3A_834 : f32 to vector<16xf32>
        %mul3A_880 = arith.mulf %mul3A_879, %get3A_878 : vector<16xf32>
        %add3A_881 = arith.addf %mul3A_874, %mul3A_880 : vector<16xf32>
        %mul3A_882 = arith.constant 64 : i32
        %mul3A_883 = arith.muli %add3A_838, %mul3A_882 : i32
        %add3A_884 = arith.constant 32 : i32
        %add3A_885 = arith.addi %mul3A_883, %add3A_884 : i32
        %swap3A_886 = arith.index_cast %add3A_885 : i32 to index
        %swap3A_887 = tpu.vector_load %arg9[%swap3A_886] {strides = array<i32>} : memref<8192xf32, #tpu.memory_space<vmem>>, vector<16xf32>,
        %swap3A_888 = vector.shape_cast %swap3A_887 : vector<16xf32> to vector<16xf32>
        %swap3A_889 = vector.shape_cast %add3A_881 : vector<16xf32> to vector<16xf32>
        tpu.vector_store %arg9[%swap3A_886], %swap3A_889 {strides = array<i32>} : memref<8192xf32, #tpu.memory_space<vmem>>, vector<16xf32>,
        %mul3A_890 = vector.broadcast %squeeze3A_832 : f32 to vector<16xf32>
        %mul3A_891 = arith.mulf %mul3A_890, %get3A_29 : vector<16xf32>
        %get3A_892 = arith.index_cast %add3A_838 : i32 to index
        %get3A_893 = arith.constant 48 : index
        %get3A_894 = tpu.vector_load %arg8[%get3A_892, %get3A_893] {strides = array<i32>} : memref<128x64xf32, #tpu.memory_space<vmem>>, vector<1x16xf32>,
        %get3A_895 = vector.shape_cast %get3A_894 : vector<1x16xf32> to vector<16xf32>
        %mul3A_896 = vector.broadcast %squeeze3A_834 : f32 to vector<16xf32>
        %mul3A_897 = arith.mulf %mul3A_896, %get3A_895 : vector<16xf32>
        %add3A_898 = arith.addf %mul3A_891, %mul3A_897 : vector<16xf32>
        %mul3A_899 = arith.constant 64 : i32
        %mul3A_900 = arith.muli %add3A_838, %mul3A_899 : i32
        %add3A_901 = arith.constant 48 : i32
        %add3A_902 = arith.addi %mul3A_900, %add3A_901 : i32
        %swap3A_903 = arith.index_cast %add3A_902 : i32 to index
        %swap3A_904 = tpu.vector_load %arg9[%swap3A_903] {strides = array<i32>} : memref<8192xf32, #tpu.memory_space<vmem>>, vector<16xf32>,
        %swap3A_905 = vector.shape_cast %swap3A_904 : vector<16xf32> to vector<16xf32>
        %swap3A_906 = vector.shape_cast %add3A_898 : vector<16xf32> to vector<16xf32>
        tpu.vector_store %arg9[%swap3A_903], %swap3A_906 {strides = array<i32>} : memref<8192xf32, #tpu.memory_space<vmem>>, vector<16xf32>,
        %slice3A_907 = vector.extract_strided_slice %get3A_70 {offsets = [11], sizes = [1], strides = [1]} : vector<16xf32> to vector<1xf32>
        %squeeze3A_908 = vector.extract %slice3A_907[0] : f32 from vector<1xf32>
        %slice3A_909 = vector.extract_strided_slice %sub3A_72 {offsets = [11], sizes = [1], strides = [1]} : vector<16xf32> to vector<1xf32>
        %squeeze3A_910 = vector.extract %slice3A_909[0] : f32 from vector<1xf32>
        %mul3A_911 = arith.constant 16 : i32
        %mul3A_912 = arith.muli %scan3A_61, %mul3A_911 : i32
        %add3A_913 = arith.constant 11 : i32
        %add3A_914 = arith.addi %mul3A_912, %add3A_913 : i32
        %mul3A_915 = vector.broadcast %squeeze3A_908 : f32 to vector<16xf32>
        %mul3A_916 = arith.mulf %mul3A_915, %get3A_14 : vector<16xf32>
        %get3A_917 = arith.index_cast %add3A_914 : i32 to index
        %get3A_918 = arith.constant 0 : index
        %get3A_919 = tpu.vector_load %arg8[%get3A_917, %get3A_918] {strides = array<i32>} : memref<128x64xf32, #tpu.memory_space<vmem>>, vector<1x16xf32>,
        %get3A_920 = vector.shape_cast %get3A_919 : vector<1x16xf32> to vector<16xf32>
        %mul3A_921 = vector.broadcast %squeeze3A_910 : f32 to vector<16xf32>
        %mul3A_922 = arith.mulf %mul3A_921, %get3A_920 : vector<16xf32>
        %add3A_923 = arith.addf %mul3A_916, %mul3A_922 : vector<16xf32>
        %mul3A_924 = arith.constant 64 : i32
        %mul3A_925 = arith.muli %add3A_914, %mul3A_924 : i32
        %add3A_926 = arith.constant 0 : i32
        %add3A_927 = arith.addi %mul3A_925, %add3A_926 : i32
        %swap3A_928 = arith.index_cast %add3A_927 : i32 to index
        %swap3A_929 = tpu.vector_load %arg9[%swap3A_928] {strides = array<i32>} : memref<8192xf32, #tpu.memory_space<vmem>>, vector<16xf32>,
        %swap3A_930 = vector.shape_cast %swap3A_929 : vector<16xf32> to vector<16xf32>
        %swap3A_931 = vector.shape_cast %add3A_923 : vector<16xf32> to vector<16xf32>
        tpu.vector_store %arg9[%swap3A_928], %swap3A_931 {strides = array<i32>} : memref<8192xf32, #tpu.memory_space<vmem>>, vector<16xf32>,
        %mul3A_932 = vector.broadcast %squeeze3A_908 : f32 to vector<16xf32>
        %mul3A_933 = arith.mulf %mul3A_932, %get3A_19 : vector<16xf32>
        %get3A_934 = arith.index_cast %add3A_914 : i32 to index
        %get3A_935 = arith.constant 16 : index
        %get3A_936 = tpu.vector_load %arg8[%get3A_934, %get3A_935] {strides = array<i32>} : memref<128x64xf32, #tpu.memory_space<vmem>>, vector<1x16xf32>,
        %get3A_937 = vector.shape_cast %get3A_936 : vector<1x16xf32> to vector<16xf32>
        %mul3A_938 = vector.broadcast %squeeze3A_910 : f32 to vector<16xf32>
        %mul3A_939 = arith.mulf %mul3A_938, %get3A_937 : vector<16xf32>
        %add3A_940 = arith.addf %mul3A_933, %mul3A_939 : vector<16xf32>
        %mul3A_941 = arith.constant 64 : i32
        %mul3A_942 = arith.muli %add3A_914, %mul3A_941 : i32
        %add3A_943 = arith.constant 16 : i32
        %add3A_944 = arith.addi %mul3A_942, %add3A_943 : i32
        %swap3A_945 = arith.index_cast %add3A_944 : i32 to index
        %swap3A_946 = tpu.vector_load %arg9[%swap3A_945] {strides = array<i32>} : memref<8192xf32, #tpu.memory_space<vmem>>, vector<16xf32>,
        %swap3A_947 = vector.shape_cast %swap3A_946 : vector<16xf32> to vector<16xf32>
        %swap3A_948 = vector.shape_cast %add3A_940 : vector<16xf32> to vector<16xf32>
        tpu.vector_store %arg9[%swap3A_945], %swap3A_948 {strides = array<i32>} : memref<8192xf32, #tpu.memory_space<vmem>>, vector<16xf32>,
        %mul3A_949 = vector.broadcast %squeeze3A_908 : f32 to vector<16xf32>
        %mul3A_950 = arith.mulf %mul3A_949, %get3A_24 : vector<16xf32>
        %get3A_951 = arith.index_cast %add3A_914 : i32 to index
        %get3A_952 = arith.constant 32 : index
        %get3A_953 = tpu.vector_load %arg8[%get3A_951, %get3A_952] {strides = array<i32>} : memref<128x64xf32, #tpu.memory_space<vmem>>, vector<1x16xf32>,
        %get3A_954 = vector.shape_cast %get3A_953 : vector<1x16xf32> to vector<16xf32>
        %mul3A_955 = vector.broadcast %squeeze3A_910 : f32 to vector<16xf32>
        %mul3A_956 = arith.mulf %mul3A_955, %get3A_954 : vector<16xf32>
        %add3A_957 = arith.addf %mul3A_950, %mul3A_956 : vector<16xf32>
        %mul3A_958 = arith.constant 64 : i32
        %mul3A_959 = arith.muli %add3A_914, %mul3A_958 : i32
        %add3A_960 = arith.constant 32 : i32
        %add3A_961 = arith.addi %mul3A_959, %add3A_960 : i32
        %swap3A_962 = arith.index_cast %add3A_961 : i32 to index
        %swap3A_963 = tpu.vector_load %arg9[%swap3A_962] {strides = array<i32>} : memref<8192xf32, #tpu.memory_space<vmem>>, vector<16xf32>,
        %swap3A_964 = vector.shape_cast %swap3A_963 : vector<16xf32> to vector<16xf32>
        %swap3A_965 = vector.shape_cast %add3A_957 : vector<16xf32> to vector<16xf32>
        tpu.vector_store %arg9[%swap3A_962], %swap3A_965 {strides = array<i32>} : memref<8192xf32, #tpu.memory_space<vmem>>, vector<16xf32>,
        %mul3A_966 = vector.broadcast %squeeze3A_908 : f32 to vector<16xf32>
        %mul3A_967 = arith.mulf %mul3A_966, %get3A_29 : vector<16xf32>
        %get3A_968 = arith.index_cast %add3A_914 : i32 to index
        %get3A_969 = arith.constant 48 : index
        %get3A_970 = tpu.vector_load %arg8[%get3A_968, %get3A_969] {strides = array<i32>} : memref<128x64xf32, #tpu.memory_space<vmem>>, vector<1x16xf32>,
        %get3A_971 = vector.shape_cast %get3A_970 : vector<1x16xf32> to vector<16xf32>
        %mul3A_972 = vector.broadcast %squeeze3A_910 : f32 to vector<16xf32>
        %mul3A_973 = arith.mulf %mul3A_972, %get3A_971 : vector<16xf32>
        %add3A_974 = arith.addf %mul3A_967, %mul3A_973 : vector<16xf32>
        %mul3A_975 = arith.constant 64 : i32
        %mul3A_976 = arith.muli %add3A_914, %mul3A_975 : i32
        %add3A_977 = arith.constant 48 : i32
        %add3A_978 = arith.addi %mul3A_976, %add3A_977 : i32
        %swap3A_979 = arith.index_cast %add3A_978 : i32 to index
        %swap3A_980 = tpu.vector_load %arg9[%swap3A_979] {strides = array<i32>} : memref<8192xf32, #tpu.memory_space<vmem>>, vector<16xf32>,
        %swap3A_981 = vector.shape_cast %swap3A_980 : vector<16xf32> to vector<16xf32>
        %swap3A_982 = vector.shape_cast %add3A_974 : vector<16xf32> to vector<16xf32>
        tpu.vector_store %arg9[%swap3A_979], %swap3A_982 {strides = array<i32>} : memref<8192xf32, #tpu.memory_space<vmem>>, vector<16xf32>,
        %slice3A_983 = vector.extract_strided_slice %get3A_70 {offsets = [12], sizes = [1], strides = [1]} : vector<16xf32> to vector<1xf32>
        %squeeze3A_984 = vector.extract %slice3A_983[0] : f32 from vector<1xf32>
        %slice3A_985 = vector.extract_strided_slice %sub3A_72 {offsets = [12], sizes = [1], strides = [1]} : vector<16xf32> to vector<1xf32>
        %squeeze3A_986 = vector.extract %slice3A_985[0] : f32 from vector<1xf32>
        %mul3A_987 = arith.constant 16 : i32
        %mul3A_988 = arith.muli %scan3A_61, %mul3A_987 : i32
        %add3A_989 = arith.constant 12 : i32
        %add3A_990 = arith.addi %mul3A_988, %add3A_989 : i32
        %mul3A_991 = vector.broadcast %squeeze3A_984 : f32 to vector<16xf32>
        %mul3A_992 = arith.mulf %mul3A_991, %get3A_14 : vector<16xf32>
        %get3A_993 = arith.index_cast %add3A_990 : i32 to index
        %get3A_994 = arith.constant 0 : index
        %get3A_995 = tpu.vector_load %arg8[%get3A_993, %get3A_994] {strides = array<i32>} : memref<128x64xf32, #tpu.memory_space<vmem>>, vector<1x16xf32>,
        %get3A_996 = vector.shape_cast %get3A_995 : vector<1x16xf32> to vector<16xf32>
        %mul3A_997 = vector.broadcast %squeeze3A_986 : f32 to vector<16xf32>
        %mul3A_998 = arith.mulf %mul3A_997, %get3A_996 : vector<16xf32>
        %add3A_999 = arith.addf %mul3A_992, %mul3A_998 : vector<16xf32>
        %mul3A_1000 = arith.constant 64 : i32
        %mul3A_1001 = arith.muli %add3A_990, %mul3A_1000 : i32
        %add3A_1002 = arith.constant 0 : i32
        %add3A_1003 = arith.addi %mul3A_1001, %add3A_1002 : i32
        %swap3A_1004 = arith.index_cast %add3A_1003 : i32 to index
        %swap3A_1005 = tpu.vector_load %arg9[%swap3A_1004] {strides = array<i32>} : memref<8192xf32, #tpu.memory_space<vmem>>, vector<16xf32>,
        %swap3A_1006 = vector.shape_cast %swap3A_1005 : vector<16xf32> to vector<16xf32>
        %swap3A_1007 = vector.shape_cast %add3A_999 : vector<16xf32> to vector<16xf32>
        tpu.vector_store %arg9[%swap3A_1004], %swap3A_1007 {strides = array<i32>} : memref<8192xf32, #tpu.memory_space<vmem>>, vector<16xf32>,
        %mul3A_1008 = vector.broadcast %squeeze3A_984 : f32 to vector<16xf32>
        %mul3A_1009 = arith.mulf %mul3A_1008, %get3A_19 : vector<16xf32>
        %get3A_1010 = arith.index_cast %add3A_990 : i32 to index
        %get3A_1011 = arith.constant 16 : index
        %get3A_1012 = tpu.vector_load %arg8[%get3A_1010, %get3A_1011] {strides = array<i32>} : memref<128x64xf32, #tpu.memory_space<vmem>>, vector<1x16xf32>,
        %get3A_1013 = vector.shape_cast %get3A_1012 : vector<1x16xf32> to vector<16xf32>
        %mul3A_1014 = vector.broadcast %squeeze3A_986 : f32 to vector<16xf32>
        %mul3A_1015 = arith.mulf %mul3A_1014, %get3A_1013 : vector<16xf32>
        %add3A_1016 = arith.addf %mul3A_1009, %mul3A_1015 : vector<16xf32>
        %mul3A_1017 = arith.constant 64 : i32
        %mul3A_1018 = arith.muli %add3A_990, %mul3A_1017 : i32
        %add3A_1019 = arith.constant 16 : i32
        %add3A_1020 = arith.addi %mul3A_1018, %add3A_1019 : i32
        %swap3A_1021 = arith.index_cast %add3A_1020 : i32 to index
        %swap3A_1022 = tpu.vector_load %arg9[%swap3A_1021] {strides = array<i32>} : memref<8192xf32, #tpu.memory_space<vmem>>, vector<16xf32>,
        %swap3A_1023 = vector.shape_cast %swap3A_1022 : vector<16xf32> to vector<16xf32>
        %swap3A_1024 = vector.shape_cast %add3A_1016 : vector<16xf32> to vector<16xf32>
        tpu.vector_store %arg9[%swap3A_1021], %swap3A_1024 {strides = array<i32>} : memref<8192xf32, #tpu.memory_space<vmem>>, vector<16xf32>,
        %mul3A_1025 = vector.broadcast %squeeze3A_984 : f32 to vector<16xf32>
        %mul3A_1026 = arith.mulf %mul3A_1025, %get3A_24 : vector<16xf32>
        %get3A_1027 = arith.index_cast %add3A_990 : i32 to index
        %get3A_1028 = arith.constant 32 : index
        %get3A_1029 = tpu.vector_load %arg8[%get3A_1027, %get3A_1028] {strides = array<i32>} : memref<128x64xf32, #tpu.memory_space<vmem>>, vector<1x16xf32>,
        %get3A_1030 = vector.shape_cast %get3A_1029 : vector<1x16xf32> to vector<16xf32>
        %mul3A_1031 = vector.broadcast %squeeze3A_986 : f32 to vector<16xf32>
        %mul3A_1032 = arith.mulf %mul3A_1031, %get3A_1030 : vector<16xf32>
        %add3A_1033 = arith.addf %mul3A_1026, %mul3A_1032 : vector<16xf32>
        %mul3A_1034 = arith.constant 64 : i32
        %mul3A_1035 = arith.muli %add3A_990, %mul3A_1034 : i32
        %add3A_1036 = arith.constant 32 : i32
        %add3A_1037 = arith.addi %mul3A_1035, %add3A_1036 : i32
        %swap3A_1038 = arith.index_cast %add3A_1037 : i32 to index
        %swap3A_1039 = tpu.vector_load %arg9[%swap3A_1038] {strides = array<i32>} : memref<8192xf32, #tpu.memory_space<vmem>>, vector<16xf32>,
        %swap3A_1040 = vector.shape_cast %swap3A_1039 : vector<16xf32> to vector<16xf32>
        %swap3A_1041 = vector.shape_cast %add3A_1033 : vector<16xf32> to vector<16xf32>
        tpu.vector_store %arg9[%swap3A_1038], %swap3A_1041 {strides = array<i32>} : memref<8192xf32, #tpu.memory_space<vmem>>, vector<16xf32>,
        %mul3A_1042 = vector.broadcast %squeeze3A_984 : f32 to vector<16xf32>
        %mul3A_1043 = arith.mulf %mul3A_1042, %get3A_29 : vector<16xf32>
        %get3A_1044 = arith.index_cast %add3A_990 : i32 to index
        %get3A_1045 = arith.constant 48 : index
        %get3A_1046 = tpu.vector_load %arg8[%get3A_1044, %get3A_1045] {strides = array<i32>} : memref<128x64xf32, #tpu.memory_space<vmem>>, vector<1x16xf32>,
        %get3A_1047 = vector.shape_cast %get3A_1046 : vector<1x16xf32> to vector<16xf32>
        %mul3A_1048 = vector.broadcast %squeeze3A_986 : f32 to vector<16xf32>
        %mul3A_1049 = arith.mulf %mul3A_1048, %get3A_1047 : vector<16xf32>
        %add3A_1050 = arith.addf %mul3A_1043, %mul3A_1049 : vector<16xf32>
        %mul3A_1051 = arith.constant 64 : i32
        %mul3A_1052 = arith.muli %add3A_990, %mul3A_1051 : i32
        %add3A_1053 = arith.constant 48 : i32
        %add3A_1054 = arith.addi %mul3A_1052, %add3A_1053 : i32
        %swap3A_1055 = arith.index_cast %add3A_1054 : i32 to index
        %swap3A_1056 = tpu.vector_load %arg9[%swap3A_1055] {strides = array<i32>} : memref<8192xf32, #tpu.memory_space<vmem>>, vector<16xf32>,
        %swap3A_1057 = vector.shape_cast %swap3A_1056 : vector<16xf32> to vector<16xf32>
        %swap3A_1058 = vector.shape_cast %add3A_1050 : vector<16xf32> to vector<16xf32>
        tpu.vector_store %arg9[%swap3A_1055], %swap3A_1058 {strides = array<i32>} : memref<8192xf32, #tpu.memory_space<vmem>>, vector<16xf32>,
        %slice3A_1059 = vector.extract_strided_slice %get3A_70 {offsets = [13], sizes = [1], strides = [1]} : vector<16xf32> to vector<1xf32>
        %squeeze3A_1060 = vector.extract %slice3A_1059[0] : f32 from vector<1xf32>
        %slice3A_1061 = vector.extract_strided_slice %sub3A_72 {offsets = [13], sizes = [1], strides = [1]} : vector<16xf32> to vector<1xf32>
        %squeeze3A_1062 = vector.extract %slice3A_1061[0] : f32 from vector<1xf32>
        %mul3A_1063 = arith.constant 16 : i32
        %mul3A_1064 = arith.muli %scan3A_61, %mul3A_1063 : i32
        %add3A_1065 = arith.constant 13 : i32
        %add3A_1066 = arith.addi %mul3A_1064, %add3A_1065 : i32
        %mul3A_1067 = vector.broadcast %squeeze3A_1060 : f32 to vector<16xf32>
        %mul3A_1068 = arith.mulf %mul3A_1067, %get3A_14 : vector<16xf32>
        %get3A_1069 = arith.index_cast %add3A_1066 : i32 to index
        %get3A_1070 = arith.constant 0 : index
        %get3A_1071 = tpu.vector_load %arg8[%get3A_1069, %get3A_1070] {strides = array<i32>} : memref<128x64xf32, #tpu.memory_space<vmem>>, vector<1x16xf32>,
        %get3A_1072 = vector.shape_cast %get3A_1071 : vector<1x16xf32> to vector<16xf32>
        %mul3A_1073 = vector.broadcast %squeeze3A_1062 : f32 to vector<16xf32>
        %mul3A_1074 = arith.mulf %mul3A_1073, %get3A_1072 : vector<16xf32>
        %add3A_1075 = arith.addf %mul3A_1068, %mul3A_1074 : vector<16xf32>
        %mul3A_1076 = arith.constant 64 : i32
        %mul3A_1077 = arith.muli %add3A_1066, %mul3A_1076 : i32
        %add3A_1078 = arith.constant 0 : i32
        %add3A_1079 = arith.addi %mul3A_1077, %add3A_1078 : i32
        %swap3A_1080 = arith.index_cast %add3A_1079 : i32 to index
        %swap3A_1081 = tpu.vector_load %arg9[%swap3A_1080] {strides = array<i32>} : memref<8192xf32, #tpu.memory_space<vmem>>, vector<16xf32>,
        %swap3A_1082 = vector.shape_cast %swap3A_1081 : vector<16xf32> to vector<16xf32>
        %swap3A_1083 = vector.shape_cast %add3A_1075 : vector<16xf32> to vector<16xf32>
        tpu.vector_store %arg9[%swap3A_1080], %swap3A_1083 {strides = array<i32>} : memref<8192xf32, #tpu.memory_space<vmem>>, vector<16xf32>,
        %mul3A_1084 = vector.broadcast %squeeze3A_1060 : f32 to vector<16xf32>
        %mul3A_1085 = arith.mulf %mul3A_1084, %get3A_19 : vector<16xf32>
        %get3A_1086 = arith.index_cast %add3A_1066 : i32 to index
        %get3A_1087 = arith.constant 16 : index
        %get3A_1088 = tpu.vector_load %arg8[%get3A_1086, %get3A_1087] {strides = array<i32>} : memref<128x64xf32, #tpu.memory_space<vmem>>, vector<1x16xf32>,
        %get3A_1089 = vector.shape_cast %get3A_1088 : vector<1x16xf32> to vector<16xf32>
        %mul3A_1090 = vector.broadcast %squeeze3A_1062 : f32 to vector<16xf32>
        %mul3A_1091 = arith.mulf %mul3A_1090, %get3A_1089 : vector<16xf32>
        %add3A_1092 = arith.addf %mul3A_1085, %mul3A_1091 : vector<16xf32>
        %mul3A_1093 = arith.constant 64 : i32
        %mul3A_1094 = arith.muli %add3A_1066, %mul3A_1093 : i32
        %add3A_1095 = arith.constant 16 : i32
        %add3A_1096 = arith.addi %mul3A_1094, %add3A_1095 : i32
        %swap3A_1097 = arith.index_cast %add3A_1096 : i32 to index
        %swap3A_1098 = tpu.vector_load %arg9[%swap3A_1097] {strides = array<i32>} : memref<8192xf32, #tpu.memory_space<vmem>>, vector<16xf32>,
        %swap3A_1099 = vector.shape_cast %swap3A_1098 : vector<16xf32> to vector<16xf32>
        %swap3A_1100 = vector.shape_cast %add3A_1092 : vector<16xf32> to vector<16xf32>
        tpu.vector_store %arg9[%swap3A_1097], %swap3A_1100 {strides = array<i32>} : memref<8192xf32, #tpu.memory_space<vmem>>, vector<16xf32>,
        %mul3A_1101 = vector.broadcast %squeeze3A_1060 : f32 to vector<16xf32>
        %mul3A_1102 = arith.mulf %mul3A_1101, %get3A_24 : vector<16xf32>
        %get3A_1103 = arith.index_cast %add3A_1066 : i32 to index
        %get3A_1104 = arith.constant 32 : index
        %get3A_1105 = tpu.vector_load %arg8[%get3A_1103, %get3A_1104] {strides = array<i32>} : memref<128x64xf32, #tpu.memory_space<vmem>>, vector<1x16xf32>,
        %get3A_1106 = vector.shape_cast %get3A_1105 : vector<1x16xf32> to vector<16xf32>
        %mul3A_1107 = vector.broadcast %squeeze3A_1062 : f32 to vector<16xf32>
        %mul3A_1108 = arith.mulf %mul3A_1107, %get3A_1106 : vector<16xf32>
        %add3A_1109 = arith.addf %mul3A_1102, %mul3A_1108 : vector<16xf32>
        %mul3A_1110 = arith.constant 64 : i32
        %mul3A_1111 = arith.muli %add3A_1066, %mul3A_1110 : i32
        %add3A_1112 = arith.constant 32 : i32
        %add3A_1113 = arith.addi %mul3A_1111, %add3A_1112 : i32
        %swap3A_1114 = arith.index_cast %add3A_1113 : i32 to index
        %swap3A_1115 = tpu.vector_load %arg9[%swap3A_1114] {strides = array<i32>} : memref<8192xf32, #tpu.memory_space<vmem>>, vector<16xf32>,
        %swap3A_1116 = vector.shape_cast %swap3A_1115 : vector<16xf32> to vector<16xf32>
        %swap3A_1117 = vector.shape_cast %add3A_1109 : vector<16xf32> to vector<16xf32>
        tpu.vector_store %arg9[%swap3A_1114], %swap3A_1117 {strides = array<i32>} : memref<8192xf32, #tpu.memory_space<vmem>>, vector<16xf32>,
        %mul3A_1118 = vector.broadcast %squeeze3A_1060 : f32 to vector<16xf32>
        %mul3A_1119 = arith.mulf %mul3A_1118, %get3A_29 : vector<16xf32>
        %get3A_1120 = arith.index_cast %add3A_1066 : i32 to index
        %get3A_1121 = arith.constant 48 : index
        %get3A_1122 = tpu.vector_load %arg8[%get3A_1120, %get3A_1121] {strides = array<i32>} : memref<128x64xf32, #tpu.memory_space<vmem>>, vector<1x16xf32>,
        %get3A_1123 = vector.shape_cast %get3A_1122 : vector<1x16xf32> to vector<16xf32>
        %mul3A_1124 = vector.broadcast %squeeze3A_1062 : f32 to vector<16xf32>
        %mul3A_1125 = arith.mulf %mul3A_1124, %get3A_1123 : vector<16xf32>
        %add3A_1126 = arith.addf %mul3A_1119, %mul3A_1125 : vector<16xf32>
        %mul3A_1127 = arith.constant 64 : i32
        %mul3A_1128 = arith.muli %add3A_1066, %mul3A_1127 : i32
        %add3A_1129 = arith.constant 48 : i32
        %add3A_1130 = arith.addi %mul3A_1128, %add3A_1129 : i32
        %swap3A_1131 = arith.index_cast %add3A_1130 : i32 to index
        %swap3A_1132 = tpu.vector_load %arg9[%swap3A_1131] {strides = array<i32>} : memref<8192xf32, #tpu.memory_space<vmem>>, vector<16xf32>,
        %swap3A_1133 = vector.shape_cast %swap3A_1132 : vector<16xf32> to vector<16xf32>
        %swap3A_1134 = vector.shape_cast %add3A_1126 : vector<16xf32> to vector<16xf32>
        tpu.vector_store %arg9[%swap3A_1131], %swap3A_1134 {strides = array<i32>} : memref<8192xf32, #tpu.memory_space<vmem>>, vector<16xf32>,
        %slice3A_1135 = vector.extract_strided_slice %get3A_70 {offsets = [14], sizes = [1], strides = [1]} : vector<16xf32> to vector<1xf32>
        %squeeze3A_1136 = vector.extract %slice3A_1135[0] : f32 from vector<1xf32>
        %slice3A_1137 = vector.extract_strided_slice %sub3A_72 {offsets = [14], sizes = [1], strides = [1]} : vector<16xf32> to vector<1xf32>
        %squeeze3A_1138 = vector.extract %slice3A_1137[0] : f32 from vector<1xf32>
        %mul3A_1139 = arith.constant 16 : i32
        %mul3A_1140 = arith.muli %scan3A_61, %mul3A_1139 : i32
        %add3A_1141 = arith.constant 14 : i32
        %add3A_1142 = arith.addi %mul3A_1140, %add3A_1141 : i32
        %mul3A_1143 = vector.broadcast %squeeze3A_1136 : f32 to vector<16xf32>
        %mul3A_1144 = arith.mulf %mul3A_1143, %get3A_14 : vector<16xf32>
        %get3A_1145 = arith.index_cast %add3A_1142 : i32 to index
        %get3A_1146 = arith.constant 0 : index
        %get3A_1147 = tpu.vector_load %arg8[%get3A_1145, %get3A_1146] {strides = array<i32>} : memref<128x64xf32, #tpu.memory_space<vmem>>, vector<1x16xf32>,
        %get3A_1148 = vector.shape_cast %get3A_1147 : vector<1x16xf32> to vector<16xf32>
        %mul3A_1149 = vector.broadcast %squeeze3A_1138 : f32 to vector<16xf32>
        %mul3A_1150 = arith.mulf %mul3A_1149, %get3A_1148 : vector<16xf32>
        %add3A_1151 = arith.addf %mul3A_1144, %mul3A_1150 : vector<16xf32>
        %mul3A_1152 = arith.constant 64 : i32
        %mul3A_1153 = arith.muli %add3A_1142, %mul3A_1152 : i32
        %add3A_1154 = arith.constant 0 : i32
        %add3A_1155 = arith.addi %mul3A_1153, %add3A_1154 : i32
        %swap3A_1156 = arith.index_cast %add3A_1155 : i32 to index
        %swap3A_1157 = tpu.vector_load %arg9[%swap3A_1156] {strides = array<i32>} : memref<8192xf32, #tpu.memory_space<vmem>>, vector<16xf32>,
        %swap3A_1158 = vector.shape_cast %swap3A_1157 : vector<16xf32> to vector<16xf32>
        %swap3A_1159 = vector.shape_cast %add3A_1151 : vector<16xf32> to vector<16xf32>
        tpu.vector_store %arg9[%swap3A_1156], %swap3A_1159 {strides = array<i32>} : memref<8192xf32, #tpu.memory_space<vmem>>, vector<16xf32>,
        %mul3A_1160 = vector.broadcast %squeeze3A_1136 : f32 to vector<16xf32>
        %mul3A_1161 = arith.mulf %mul3A_1160, %get3A_19 : vector<16xf32>
        %get3A_1162 = arith.index_cast %add3A_1142 : i32 to index
        %get3A_1163 = arith.constant 16 : index
        %get3A_1164 = tpu.vector_load %arg8[%get3A_1162, %get3A_1163] {strides = array<i32>} : memref<128x64xf32, #tpu.memory_space<vmem>>, vector<1x16xf32>,
        %get3A_1165 = vector.shape_cast %get3A_1164 : vector<1x16xf32> to vector<16xf32>
        %mul3A_1166 = vector.broadcast %squeeze3A_1138 : f32 to vector<16xf32>
        %mul3A_1167 = arith.mulf %mul3A_1166, %get3A_1165 : vector<16xf32>
        %add3A_1168 = arith.addf %mul3A_1161, %mul3A_1167 : vector<16xf32>
        %mul3A_1169 = arith.constant 64 : i32
        %mul3A_1170 = arith.muli %add3A_1142, %mul3A_1169 : i32
        %add3A_1171 = arith.constant 16 : i32
        %add3A_1172 = arith.addi %mul3A_1170, %add3A_1171 : i32
        %swap3A_1173 = arith.index_cast %add3A_1172 : i32 to index
        %swap3A_1174 = tpu.vector_load %arg9[%swap3A_1173] {strides = array<i32>} : memref<8192xf32, #tpu.memory_space<vmem>>, vector<16xf32>,
        %swap3A_1175 = vector.shape_cast %swap3A_1174 : vector<16xf32> to vector<16xf32>
        %swap3A_1176 = vector.shape_cast %add3A_1168 : vector<16xf32> to vector<16xf32>
        tpu.vector_store %arg9[%swap3A_1173], %swap3A_1176 {strides = array<i32>} : memref<8192xf32, #tpu.memory_space<vmem>>, vector<16xf32>,
        %mul3A_1177 = vector.broadcast %squeeze3A_1136 : f32 to vector<16xf32>
        %mul3A_1178 = arith.mulf %mul3A_1177, %get3A_24 : vector<16xf32>
        %get3A_1179 = arith.index_cast %add3A_1142 : i32 to index
        %get3A_1180 = arith.constant 32 : index
        %get3A_1181 = tpu.vector_load %arg8[%get3A_1179, %get3A_1180] {strides = array<i32>} : memref<128x64xf32, #tpu.memory_space<vmem>>, vector<1x16xf32>,
        %get3A_1182 = vector.shape_cast %get3A_1181 : vector<1x16xf32> to vector<16xf32>
        %mul3A_1183 = vector.broadcast %squeeze3A_1138 : f32 to vector<16xf32>
        %mul3A_1184 = arith.mulf %mul3A_1183, %get3A_1182 : vector<16xf32>
        %add3A_1185 = arith.addf %mul3A_1178, %mul3A_1184 : vector<16xf32>
        %mul3A_1186 = arith.constant 64 : i32
        %mul3A_1187 = arith.muli %add3A_1142, %mul3A_1186 : i32
        %add3A_1188 = arith.constant 32 : i32
        %add3A_1189 = arith.addi %mul3A_1187, %add3A_1188 : i32
        %swap3A_1190 = arith.index_cast %add3A_1189 : i32 to index
        %swap3A_1191 = tpu.vector_load %arg9[%swap3A_1190] {strides = array<i32>} : memref<8192xf32, #tpu.memory_space<vmem>>, vector<16xf32>,
        %swap3A_1192 = vector.shape_cast %swap3A_1191 : vector<16xf32> to vector<16xf32>
        %swap3A_1193 = vector.shape_cast %add3A_1185 : vector<16xf32> to vector<16xf32>
        tpu.vector_store %arg9[%swap3A_1190], %swap3A_1193 {strides = array<i32>} : memref<8192xf32, #tpu.memory_space<vmem>>, vector<16xf32>,
        %mul3A_1194 = vector.broadcast %squeeze3A_1136 : f32 to vector<16xf32>
        %mul3A_1195 = arith.mulf %mul3A_1194, %get3A_29 : vector<16xf32>
        %get3A_1196 = arith.index_cast %add3A_1142 : i32 to index
        %get3A_1197 = arith.constant 48 : index
        %get3A_1198 = tpu.vector_load %arg8[%get3A_1196, %get3A_1197] {strides = array<i32>} : memref<128x64xf32, #tpu.memory_space<vmem>>, vector<1x16xf32>,
        %get3A_1199 = vector.shape_cast %get3A_1198 : vector<1x16xf32> to vector<16xf32>
        %mul3A_1200 = vector.broadcast %squeeze3A_1138 : f32 to vector<16xf32>
        %mul3A_1201 = arith.mulf %mul3A_1200, %get3A_1199 : vector<16xf32>
        %add3A_1202 = arith.addf %mul3A_1195, %mul3A_1201 : vector<16xf32>
        %mul3A_1203 = arith.constant 64 : i32
        %mul3A_1204 = arith.muli %add3A_1142, %mul3A_1203 : i32
        %add3A_1205 = arith.constant 48 : i32
        %add3A_1206 = arith.addi %mul3A_1204, %add3A_1205 : i32
        %swap3A_1207 = arith.index_cast %add3A_1206 : i32 to index
        %swap3A_1208 = tpu.vector_load %arg9[%swap3A_1207] {strides = array<i32>} : memref<8192xf32, #tpu.memory_space<vmem>>, vector<16xf32>,
        %swap3A_1209 = vector.shape_cast %swap3A_1208 : vector<16xf32> to vector<16xf32>
        %swap3A_1210 = vector.shape_cast %add3A_1202 : vector<16xf32> to vector<16xf32>
        tpu.vector_store %arg9[%swap3A_1207], %swap3A_1210 {strides = array<i32>} : memref<8192xf32, #tpu.memory_space<vmem>>, vector<16xf32>,
        %slice3A_1211 = vector.extract_strided_slice %get3A_70 {offsets = [15], sizes = [1], strides = [1]} : vector<16xf32> to vector<1xf32>
        %squeeze3A_1212 = vector.extract %slice3A_1211[0] : f32 from vector<1xf32>
        %slice3A_1213 = vector.extract_strided_slice %sub3A_72 {offsets = [15], sizes = [1], strides = [1]} : vector<16xf32> to vector<1xf32>
        %squeeze3A_1214 = vector.extract %slice3A_1213[0] : f32 from vector<1xf32>
        %mul3A_1215 = arith.constant 16 : i32
        %mul3A_1216 = arith.muli %scan3A_61, %mul3A_1215 : i32
        %add3A_1217 = arith.constant 15 : i32
        %add3A_1218 = arith.addi %mul3A_1216, %add3A_1217 : i32
        %mul3A_1219 = vector.broadcast %squeeze3A_1212 : f32 to vector<16xf32>
        %mul3A_1220 = arith.mulf %mul3A_1219, %get3A_14 : vector<16xf32>
        %get3A_1221 = arith.index_cast %add3A_1218 : i32 to index
        %get3A_1222 = arith.constant 0 : index
        %get3A_1223 = tpu.vector_load %arg8[%get3A_1221, %get3A_1222] {strides = array<i32>} : memref<128x64xf32, #tpu.memory_space<vmem>>, vector<1x16xf32>,
        %get3A_1224 = vector.shape_cast %get3A_1223 : vector<1x16xf32> to vector<16xf32>
        %mul3A_1225 = vector.broadcast %squeeze3A_1214 : f32 to vector<16xf32>
        %mul3A_1226 = arith.mulf %mul3A_1225, %get3A_1224 : vector<16xf32>
        %add3A_1227 = arith.addf %mul3A_1220, %mul3A_1226 : vector<16xf32>
        %mul3A_1228 = arith.constant 64 : i32
        %mul3A_1229 = arith.muli %add3A_1218, %mul3A_1228 : i32
        %add3A_1230 = arith.constant 0 : i32
        %add3A_1231 = arith.addi %mul3A_1229, %add3A_1230 : i32
        %swap3A_1232 = arith.index_cast %add3A_1231 : i32 to index
        %swap3A_1233 = tpu.vector_load %arg9[%swap3A_1232] {strides = array<i32>} : memref<8192xf32, #tpu.memory_space<vmem>>, vector<16xf32>,
        %swap3A_1234 = vector.shape_cast %swap3A_1233 : vector<16xf32> to vector<16xf32>
        %swap3A_1235 = vector.shape_cast %add3A_1227 : vector<16xf32> to vector<16xf32>
        tpu.vector_store %arg9[%swap3A_1232], %swap3A_1235 {strides = array<i32>} : memref<8192xf32, #tpu.memory_space<vmem>>, vector<16xf32>,
        %mul3A_1236 = vector.broadcast %squeeze3A_1212 : f32 to vector<16xf32>
        %mul3A_1237 = arith.mulf %mul3A_1236, %get3A_19 : vector<16xf32>
        %get3A_1238 = arith.index_cast %add3A_1218 : i32 to index
        %get3A_1239 = arith.constant 16 : index
        %get3A_1240 = tpu.vector_load %arg8[%get3A_1238, %get3A_1239] {strides = array<i32>} : memref<128x64xf32, #tpu.memory_space<vmem>>, vector<1x16xf32>,
        %get3A_1241 = vector.shape_cast %get3A_1240 : vector<1x16xf32> to vector<16xf32>
        %mul3A_1242 = vector.broadcast %squeeze3A_1214 : f32 to vector<16xf32>
        %mul3A_1243 = arith.mulf %mul3A_1242, %get3A_1241 : vector<16xf32>
        %add3A_1244 = arith.addf %mul3A_1237, %mul3A_1243 : vector<16xf32>
        %mul3A_1245 = arith.constant 64 : i32
        %mul3A_1246 = arith.muli %add3A_1218, %mul3A_1245 : i32
        %add3A_1247 = arith.constant 16 : i32
        %add3A_1248 = arith.addi %mul3A_1246, %add3A_1247 : i32
        %swap3A_1249 = arith.index_cast %add3A_1248 : i32 to index
        %swap3A_1250 = tpu.vector_load %arg9[%swap3A_1249] {strides = array<i32>} : memref<8192xf32, #tpu.memory_space<vmem>>, vector<16xf32>,
        %swap3A_1251 = vector.shape_cast %swap3A_1250 : vector<16xf32> to vector<16xf32>
        %swap3A_1252 = vector.shape_cast %add3A_1244 : vector<16xf32> to vector<16xf32>
        tpu.vector_store %arg9[%swap3A_1249], %swap3A_1252 {strides = array<i32>} : memref<8192xf32, #tpu.memory_space<vmem>>, vector<16xf32>,
        %mul3A_1253 = vector.broadcast %squeeze3A_1212 : f32 to vector<16xf32>
        %mul3A_1254 = arith.mulf %mul3A_1253, %get3A_24 : vector<16xf32>
        %get3A_1255 = arith.index_cast %add3A_1218 : i32 to index
        %get3A_1256 = arith.constant 32 : index
        %get3A_1257 = tpu.vector_load %arg8[%get3A_1255, %get3A_1256] {strides = array<i32>} : memref<128x64xf32, #tpu.memory_space<vmem>>, vector<1x16xf32>,
        %get3A_1258 = vector.shape_cast %get3A_1257 : vector<1x16xf32> to vector<16xf32>
        %mul3A_1259 = vector.broadcast %squeeze3A_1214 : f32 to vector<16xf32>
        %mul3A_1260 = arith.mulf %mul3A_1259, %get3A_1258 : vector<16xf32>
        %add3A_1261 = arith.addf %mul3A_1254, %mul3A_1260 : vector<16xf32>
        %mul3A_1262 = arith.constant 64 : i32
        %mul3A_1263 = arith.muli %add3A_1218, %mul3A_1262 : i32
        %add3A_1264 = arith.constant 32 : i32
        %add3A_1265 = arith.addi %mul3A_1263, %add3A_1264 : i32
        %swap3A_1266 = arith.index_cast %add3A_1265 : i32 to index
        %swap3A_1267 = tpu.vector_load %arg9[%swap3A_1266] {strides = array<i32>} : memref<8192xf32, #tpu.memory_space<vmem>>, vector<16xf32>,
        %swap3A_1268 = vector.shape_cast %swap3A_1267 : vector<16xf32> to vector<16xf32>
        %swap3A_1269 = vector.shape_cast %add3A_1261 : vector<16xf32> to vector<16xf32>
        tpu.vector_store %arg9[%swap3A_1266], %swap3A_1269 {strides = array<i32>} : memref<8192xf32, #tpu.memory_space<vmem>>, vector<16xf32>,
        %mul3A_1270 = vector.broadcast %squeeze3A_1212 : f32 to vector<16xf32>
        %mul3A_1271 = arith.mulf %mul3A_1270, %get3A_29 : vector<16xf32>
        %get3A_1272 = arith.index_cast %add3A_1218 : i32 to index
        %get3A_1273 = arith.constant 48 : index
        %get3A_1274 = tpu.vector_load %arg8[%get3A_1272, %get3A_1273] {strides = array<i32>} : memref<128x64xf32, #tpu.memory_space<vmem>>, vector<1x16xf32>,
        %get3A_1275 = vector.shape_cast %get3A_1274 : vector<1x16xf32> to vector<16xf32>
        %mul3A_1276 = vector.broadcast %squeeze3A_1214 : f32 to vector<16xf32>
        %mul3A_1277 = arith.mulf %mul3A_1276, %get3A_1275 : vector<16xf32>
        %add3A_1278 = arith.addf %mul3A_1271, %mul3A_1277 : vector<16xf32>
        %mul3A_1279 = arith.constant 64 : i32
        %mul3A_1280 = arith.muli %add3A_1218, %mul3A_1279 : i32
        %add3A_1281 = arith.constant 48 : i32
        %add3A_1282 = arith.addi %mul3A_1280, %add3A_1281 : i32
        %swap3A_1283 = arith.index_cast %add3A_1282 : i32 to index
        %swap3A_1284 = tpu.vector_load %arg9[%swap3A_1283] {strides = array<i32>} : memref<8192xf32, #tpu.memory_space<vmem>>, vector<16xf32>,
        %swap3A_1285 = vector.shape_cast %swap3A_1284 : vector<16xf32> to vector<16xf32>
        %swap3A_1286 = vector.shape_cast %add3A_1278 : vector<16xf32> to vector<16xf32>
        tpu.vector_store %arg9[%swap3A_1283], %swap3A_1286 {strides = array<i32>} : memref<8192xf32, #tpu.memory_space<vmem>>, vector<16xf32>,
        %scan3A_1287 = arith.constant 0 : i32
        scf.yield %scan3A_1287 : i32
      }
      %scan3A_54 = arith.constant 8 : i32
      %mul3A_55 = arith.constant 128 : i32
      %mul3A_56 = arith.muli %scan3A_36, %mul3A_55 : i32
      %add3A_57 = arith.addi %mul3A_2, %mul3A_56 : i32
      %mul3A_58 = arith.constant 64 : i32
      %mul3A_59 = arith.muli %add3A_57, %mul3A_58 : i32
      "tpu.region"() ({
        %run_scoped3A = tpu.sem_alloc : memref<!tpu.dma_semaphore, #tpu.memory_space<semaphore_mem>>
        %dma_start3A_61 = tpu.memref_slice %arg5[%mul3A_59] : memref<13107200xf32, #tpu.memory_space<hbm>> -> memref<8192xf32, #tpu.memory_space<hbm>>
        %dma_start3A_62 = tpu.memref_slice %arg5[%mul3A_59] : memref<13107200xf32, #tpu.memory_space<hbm>> -> memref<8192xf32, #tpu.memory_space<hbm>>
        tpu.enqueue_dma source(%arg9 : memref<8192xf32, #tpu.memory_space<vmem>>) target(%dma_start3A_62 : memref<8192xf32, #tpu.memory_space<hbm>>) target_semaphore(%run_scoped3A : memref<!tpu.dma_semaphore, #tpu.memory_space<semaphore_mem>>)
        %dma_wait3A_63 = tpu.memref_slice %arg5[%mul3A_59] : memref<13107200xf32, #tpu.memory_space<hbm>> -> memref<8192xf32, #tpu.memory_space<hbm>>
        %dma_wait3A_64 = tpu.memref_slice %arg5[%mul3A_59] : memref<13107200xf32, #tpu.memory_space<hbm>> -> memref<8192xf32, #tpu.memory_space<hbm>>
        tpu.wait_dma2 semaphore(%run_scoped3A : memref<!tpu.dma_semaphore, #tpu.memory_space<semaphore_mem>>) src(%arg9 : memref<8192xf32, #tpu.memory_space<vmem>>) dst(%dma_wait3A_64 : memref<8192xf32, #tpu.memory_space<hbm>>)
        tpu.yield
      }) : () -> ()
      %scan3A_60 = arith.constant 0 : i32
      scf.yield %scan3A_60 : i32
    }
    %scan3A_35 = arith.constant 50 : i32
    return
  }
}

</mosaic_0001>

<sc_bundles>
// kernel: _soft_mask_sc.3.cloned.1.call-start
scs
__scs_entry_jumppad:
0x0: {  	(pc) =	sbr.rel $0x88, $3  }
0x1: {  	(tag) =	ssettag $0x0;
	lr =	simm.s32 $0x1  }
0x2: {  	[smem:$0x3F9E] =	sst lr;
	_ =	strace $0xD0000000  }
0x3: {  	_ = 	snop  }
0x4: {  	_ = 	snop  }
0x5: {  	_ = 	snop  }
0x6: {  	_ = 	snop  }
0x7: {  	_ = 	snop  }
__scs_overlays_trampoline_lowered:
0x8: {  	[smem:$0x3FAD] =	sst s0  }
0x9: {  	[smem:$0x3FAE] =	sst s1  }
0xa: {  	[smem:$0x3FAF] =	sst s2  }
0xb: {  	[smem:$0x3FB0] =	sst s3  }
0xc: {  	[smem:$0x3FB1] =	sst s4  }
0xd: {  	[smem:$0x3FB2] =	sst s5  }
0xe: {  	[smem:$0x3FB3] =	sst s6  }
0xf: {  	[smem:$0x3FB4] =	sst s7  }
0x10: {  	[smem:$0x3FB5] =	sst s8  }
0x11: {  	[smem:$0x3FB6] =	sst s9;
	s0 =	simm.s32 @!p0 $0x0  }
0x12: {  	s1 =	sld [smem:$0x3F9C];
	s0 =	simm.s32 @p0 $0x1  }
0x13: {  	[smem:$0x3FB7] =	sst s0;
	s0 =	simm.s32 @!p1 $0x0  }
0x14: {  	s2 =	sld [smem:$0x3F9B];
	s0 =	simm.s32 @p1 $0x1  }
0x15: {  	[smem:$0x3FB8] =	sst s0;
	s0 =	simm.s32 @!p2 $0x0  }
0x16: {  	s3 =	sld [smem:$0x3FDB];
	s0 =	simm.s32 @p2 $0x1  }
0x17: {  	s4 =	simm.s32 $0x1BF5;
	[smem:$0x3FBA] =	sst s0  }
0x18: {  	s0 =	sld [smem:$0x3F9D];
	_ =	swait.ge [sflag:s4], $0x0  }
0x19: {  	s7 =	sld [smem:$0x3F9E]  }
0x1a: {  	s8 =	sadd.s32 $0xFFFFE003, lr  }
0x1b: {  	s9 =	sadd.s32 $0xFFFFFEF7, lr;
	s5 =	simm.s32 $0xFFFFFFFF;
	p2 =	slt.u32 s8, $0xFFFFF086  }
0x1c: {  	p1 =	slt.u32 s9, $0xF7A;
	s5 =	simm.s32 @!p2 $0x0  }
0x1d: {  	s5 =	simm.s32 @p1 $0x1;
	p0 =	seq.s32 s7, s2  }
0x1e: {  	s7 =	smul.u32 @!p0 $0xF7A, s2;
	p2 =	seq.s32 @!p0 s5, $0x0  }
0x1f: {  	s9 =	smul.u32 $0xF7A, s1;
	s8 =	simm.s32 @!p0 $0x1BF5;
	p2 =	por !p2, p0  }
0x20: {  	[sflag:s8] =	ssyncset.s32 @!p0 $0xFFFFF086;
	s6 =	sadd.s32 @!p0 s3, s7;
	s7 =	simm.s32 @!p0 $0x108  }
0x21: {  	s3 =	sadd.s32 s3, s9;
	s6 =	sadd.s32 @!p0 $0x88, s6;
	s7 =	simm.s32 @p2 $0x1082  }
0x22: {  	[simem:s7], [sflag:s8] =	dma.local @!p0 [hbm:s6], $0xF7A  }
0x23: {  	s9 =	sor.u32 $0xD0000000, s2;
	s6 =	simm.s32 $0x108;
	_ =	swait.ge @!p0 [sflag:s8], $0x0  }
0x24: {  	s3 =	sadd.s32 $0x88, s3;
	s6 =	simm.s32 @!p1 $0x1082;
	[sflag:s4] =	ssyncset.s32 $0xFFFFF086  }
0x25: {  	[simem:s6], [sflag:s4] =	dma.local [hbm:s3], $0xF7A  }
0x26: {  	[smem:$0x3F9E] =	sst s1;
	(tag) =	ssettag s2;
	_ =	strace s9  }
0x27: {  	s1 =	sld [smem:$0x3FAE]  }
0x28: {  	s2 =	sld [smem:$0x3FAF]  }
0x29: {  	s4 =	sld [smem:$0x3FB1]  }
0x2a: {  	p0 =	seq.s32 s5, $0x0;
	s5 =	sld [smem:$0x3FB2]  }
0x2b: {  	s6 =	sld [smem:$0x3FB3]  }
0x2c: {  	s7 =	sld [smem:$0x3FB4]  }
0x2d: {  	s3 =	simm.s32 $0x108;
	s8 =	sld [smem:$0x3FB5]  }
0x2e: {  	s3 =	simm.s32 @!p0 $0x1082;
	s9 =	sld [smem:$0x3FB6]  }
0x2f: {  	lr =	sadd.s32 s0, s3;
	s0 =	sld [smem:$0x3FAD]  }
0x30: {  	s3 =	sld [smem:$0x3FB0]  }
0x31: {  	[smem:$0x3FB9] =	sst s10  }
0x32: {  	s10 =	sld [smem:$0x3FB7];
	_ =	sdelay $0x3  }
0x33: {  	p0 =	seq.s32 s10, $0x1;
	s10 =	sld [smem:$0x3FB9];
	_ =	sdelay $0x3  }
0x34: {  	[smem:$0x3FB9] =	sst s10  }
0x35: {  	s10 =	sld [smem:$0x3FB8];
	_ =	sdelay $0x3  }
0x36: {  	p1 =	seq.s32 s10, $0x1;
	s10 =	sld [smem:$0x3FB9];
	_ =	sdelay $0x3  }
0x37: {  	[smem:$0x3FB9] =	sst s10  }
0x38: {  	s10 =	sld [smem:$0x3FBA]  }
0x39: {  	_ = 	snop;
	(pc) =	sbr.ind lr, $3  }
0x3a: {  	_ = 	snop  }
0x3b: {  	_ = 	snop  }
0x3c: {  	p2 =	seq.s32 s10, $0x1;
	s10 =	sld [smem:$0x3FB9]  }
0x3d: {  	_ =	shalt  }
0x3e: {  	_ =	shalt  }
0x3f: {  	_ =	shalt  }
0x40: {  	_ =	shalt  }
0x41: {  	_ =	shalt  }
0x42: {  	_ =	shalt  }
0x43: {  	_ =	shalt  }
0x44: {  	_ =	shalt  }
0x45: {  	_ =	shalt  }
0x46: {  	_ =	shalt  }
0x47: {  	_ =	shalt  }
0x48: {  	_ =	shalt  }
0x49: {  	_ =	shalt  }
0x4a: {  	_ =	shalt  }
0x4b: {  	_ =	shalt  }
0x4c: {  	_ =	shalt  }
0x4d: {  	_ =	shalt  }
0x4e: {  	_ =	shalt  }
0x4f: {  	_ =	shalt  }
0x50: {  	_ =	shalt  }
0x51: {  	_ =	shalt  }
0x52: {  	_ =	shalt  }
0x53: {  	_ =	shalt  }
0x54: {  	_ =	shalt  }
0x55: {  	_ =	shalt  }
0x56: {  	_ =	shalt  }
0x57: {  	_ =	shalt  }
0x58: {  	_ =	shalt  }
0x59: {  	_ =	shalt  }
0x5a: {  	_ =	shalt  }
0x5b: {  	_ =	shalt  }
0x5c: {  	_ =	shalt  }
0x5d: {  	_ =	shalt  }
0x5e: {  	_ =	shalt  }
0x5f: {  	_ =	shalt  }
0x60: {  	_ =	shalt  }
0x61: {  	_ =	shalt  }
0x62: {  	_ =	shalt  }
0x63: {  	_ =	shalt  }
0x64: {  	_ =	shalt  }
0x65: {  	_ =	shalt  }
0x66: {  	_ =	shalt  }
0x67: {  	_ =	shalt  }
0x68: {  	_ =	shalt  }
0x69: {  	_ =	shalt  }
0x6a: {  	_ =	shalt  }
0x6b: {  	_ =	shalt  }
0x6c: {  	_ =	shalt  }
0x6d: {  	_ =	shalt  }
0x6e: {  	_ =	shalt  }
0x6f: {  	_ =	shalt  }
0x70: {  	_ =	shalt  }
0x71: {  	_ =	shalt  }
0x72: {  	_ =	shalt  }
0x73: {  	_ =	shalt  }
0x74: {  	_ =	shalt  }
0x75: {  	_ =	shalt  }
0x76: {  	_ =	shalt  }
0x77: {  	_ =	shalt  }
0x78: {  	_ =	shalt  }
0x79: {  	_ =	shalt  }
0x7a: {  	_ =	shalt  }
0x7b: {  	_ =	shalt  }
0x7c: {  	_ =	shalt  }
0x7d: {  	_ =	shalt  }
0x7e: {  	_ =	shalt  }
0x7f: {  	_ =	shalt  }
0x80: {  	_ =	shalt  }
0x81: {  	_ =	shalt  }
0x82: {  	_ =	shalt  }
0x83: {  	_ =	shalt  }
0x84: {  	_ =	shalt  }
0x85: {  	_ =	shalt  }
0x86: {  	_ =	shalt  }
0x87: {  	_ =	shalt  }
.Lfunc_end0:
.L_simem_size_0:
called_computation_lowered:
.L_overlay_start_0:
0x88: {  	s2 =	sld [smem:$0x3FD9]  }
0x89: {  	s3 =	sld [smem:$0x3FFE];
	_ =	sdelay $0x1  }
0x8a: {  	s1 =	srdreg.scid  }
0x8b: {  	s0 =	sand.u32 $0x1, s1  }
0x8c: {  	s17 =	sshll.u32 s0, $0xA;
	s2 =	sadd.s32 s3, s2  }
0x8d: {  	s2 =	sadd.s32 s2, s17  }
0x8e: {  	[smem:$0x3FC5] =	sst s2  }
0x8f: {  	_ = 	snop  }
0x90: {  	s2 =	sld [smem:$0x3FC9]  }
0x91: {  	s18 =	sld [smem:$0x3FC8]  }
0x92: {  	s4 =	sld [smem:$0x3FD0];
	(tm) =	ssettm $0x1  }
0x93: {  	s5 =	sld [smem:$0x3FFB];
	_ =	sdelay $0x3  }
0x94: {  	_ =	strace s5  }
0x95: {  	s5 =	sld [smem:$0x3FFC];
	_ =	sdelay $0x3  }
0x96: {  	_ =	strace s5  }
0x97: {  	s5 =	sld [smem:$0x3FFD];
	_ =	sdelay $0x3  }
0x98: {  	_ =	strace s5  }
0x99: {  	_ =	strace $0x8FFFFFFF  }
0x9a: {  	s19 =	sld [smem:$0x3FDB];
	_ =	sdelay $0x1  }
0x9b: {  	s6 =	simm.s32 $_scs_section_size  }
0x9c: {  	s7 =	simm.s32 $_size__tile_overlayer_lowered;
	s8 =	simm.s32 $_tile_overlayer_lowered  }
0x9d: {  	s22 =	simm.s32 $0x1BFF;
	s21 =	sshll.u32 s8, $0x1;
	s5 =	sadd.s32 s6, s19  }
0x9e: {  	s9 =	simm.s32 $0x0;
	s20 =	sshll.u32 s7, $0x1;
	s7 =	sadd.s32 s21, s5  }
0x9f: {  	[timem:s9], [sflag:s22] =	dma.local [hbm:s7], s20  }
0xa0: {  	_ =	swait.ge [sflag:s22], s20  }
0xa1: {  	s6 =	ssub.s32 $0x0, s20;
	[sflag:s22] =	ssyncset.done $0x0  }
0xa2: {  	[sflag:s22] =	ssyncadd.s32 s6;
	_ =	sdelay $0x1  }
0xa3: {  	s23 =	simm.s32 $0x1B8B  }
0xa4: {  	_ =	swait.ge [sflag:s23], $0x1  }
0xa5: {  	[sflag:s23] =	ssyncset.done $0x0  }
0xa6: {  	s25 =	simm.s32 $0x1B8E;
	s24 =	sld [smem:$0x3FFE];
	[sflag:s23] =	ssyncadd.s32 $0xFFFFFFFF  }
0xa7: {  	s26 =	simm.s32 $execute0_lowered;
	[smem:$0x3FD2] =	sst s25  }
0xa8: {  	s7 =	sshll.u32 s26, $0x1;
	_ =	strace $0x80000046;
	[dreg:$0x1] =	wrdreg $0xFFFFFFFF  }
0xa9: {  	s28 =	simm.s32 $_size_execute0_lowered;
	s5 =	sadd.s32 s5, s7;
	[dreg:$0x0] =	wrdreg $0x0  }
0xaa: {  	s7 =	sshll.u32 s28, $0x1;
	[dreg:$0x2] =	wrdreg s5  }
0xab: {  	[dreg:$0x3] =	wrdreg s7  }
0xac: {  	[dreg:$0x4] =	wrdreg $0xC0  }
0xad: {  	_ =	task [dreg:s9], $0x5FFFF  }
0xae: {  	[dreg:$0x1] =	wrdreg $0xFFFFFFFF  }
0xaf: {  	[dreg:$0x0] =	wrdreg $0x60  }
0xb0: {  	[dreg:$0x2] =	wrdreg s2  }
0xb1: {  	[dreg:$0x3] =	wrdreg s18  }
0xb2: {  	[dreg:$0x4] =	wrdreg s24  }
0xb3: {  	[dreg:$0x5] =	wrdreg s4  }
0xb4: {  	[dreg:$0x6] =	wrdreg $0x9  }
0xb5: {  	_ =	task.clear_ibuf [dreg:s9], $0x7FFFF;
	_ =	strace $0x90000046  }
0xb6: {  	s29 =	simm.s32 $0x9;
	_ =	strace $0x80000048  }
0xb7: {  	_ =	swait.ge [sflag:s29], $0x1  }
0xb8: {  	[sflag:s29] =	ssyncadd.s32 $0xFFFFFFFF  }
0xb9: {  	_ =	strace $0x90000048  }
0xba: {  	_ =	sfence  }
0xbb: {  	s30 =	sld [smem:$0x0];
	_ =	sdelay $0x2  }
0xbc: {  	s31 =	sshll.u32 s1, $0xD;
	s1 =	sshrl.u32 s1, $0x2  }
0xbd: {  	s3 =	sand.u32 $0x4000, s31;
	s1 =	sadd.s32 s1, s30  }
0xbe: {  	s0 =	sor.u32 s3, s0;
	s1 =	sshll.u32 s1, $0x11  }
0xbf: {  	s0 =	sor.u32 s1, s0  }
0xc0: {  	s0 =	sadd.s32 $0x8F2B, s0  }
0xc1: {  	[sflag:s0] =	ssyncadd.remote.s32 $0x1  }
0xc2: {  	_ =	sfence.sel $0xFFFF  }
0xc3: {  	[dreg:$0x0] =	wrdreg $0xFFFFFFFF;
	(pc) =	sbr.abs _section_cstart, $3  }
0xc4: {  	[dreg:$0x1] =	wrdreg $0xFFFFFFFF  }
0xc5: {  	_ =	task.clear_ibuf [dreg:s9], $0x2FFFF;
	_ =	strace $0x9FFFFFFF  }
0xc6: {  	(tm) =	ssettm $0x7FFFFFFF  }
0xc7: {  	_ =	shalt  }
tec
execute0_lowered:
.L_overlay_start_1:
0x0: {  	(tag) =	ssettag $0x1  }
0x1: {  	s6 =	rddreg [dreg:$0x0]  }
0x2: {  	s7 =	rddreg [dreg:$0x1]  }
0x3: {  	s5 =	rddreg [dreg:$0x2];
	s1 =	srdreg.scid  }
0x4: {  	s0 =	stileid.u32;
	s2 =	rddreg [dreg:$0x3];
	s3 =	simm.s32 $0x0  }
0x5: {  	s10 =	simm.s32 $0x10;
	s11 =	simm.s32 $0x7200;
	s12 =	simm.s32 $0x7210  }
0x6: {  	s13 =	simm.s32 $0x1;
	s14 =	simm.s32 $0x80;
	s15 =	simm.s32 $0x3200  }
0x7: {  	s16 =	simm.s32 $0x5200;
	s4 =	sand.u32 $0x1, s1;
	s8 =	sshll.u32 s0, $0x1  }
0x8: {  	s17 =	simm.s32 $0x0;
	s1 =	rddreg [dreg:$0x4];
	s8 =	sor.u32 s4, s8  }
0x9: {  	[smem:$0x7FF] =	sst s3;
	s9 =	ssub.s32 $0x2, s4;
	s4 =	smul.u32 $0x1900, s8  }
0xa: {  	s5 =	sadd.s32 $0xF42800, s5;
	_ =	strace $0x80000047;
	s30 =	sshrl.u32 s9, $0x1  }
0xb: {  	s8 =	ssub.s32 s9, s30;
	s9 =	simm.s32 $0x2;
	s31 =	sshrl.u32 s4, $0x3  }
0xc: {  	v0 =	vimm.s32 $0x67;
	s8 =	smax.u32 s8, $0x1;
	s6 =	sadd.s32 s6, s31;
	s7 =	sadd.s32 s7, s31  }
.LBB2_1:
0xd: {  	[tilespmem:s3], [sflag:$0x2] =	stream.linear.gather [hbm4b:s6+s3], $0x1900, $0x38;
	[tilespmem:$0x7610] =	vst v63  }
0xe: {  	_ =	swait.ge [sflag:s9], $0x1900  }
0xf: {  	[sflag:s9] =	ssyncset.done $0x0  }
0x10: {  	s18 =	simm.s32 $0x1900;
	[sflag:s9] =	ssyncadd.s32 $0xFFFFE700  }
0x11: {  	[tilespmem:s18], [sflag:$0x2] =	stream.linear.gather [hbm4b:s7+s3], $0x1900, $0x38;
	[tilespmem:$0x7610] =	vst v63  }
0x12: {  	_ =	swait.ge [sflag:s9], $0x1900  }
0x13: {  	[sflag:s9] =	ssyncset.done $0x0  }
0x14: {  	[sflag:s9] =	ssyncadd.s32 $0xFFFFE700  }
0x15: {  	[tilespmem:$0x7200] =	vst v0  }
0x16: {  	[tilespmem:s12], [sflag:$0x1] =	stream.indirect.gather [hbm4b:s5+s10], $0x40, s11, s10, $0xb8;
	[tilespmem:$0x7610] =	vst v63  }
0x17: {  	_ =	swait.ge [sflag:s13], $0x400  }
0x18: {  	[sflag:s13] =	ssyncset.done $0x0  }
0x19: {  	[sflag:s13] =	ssyncadd.s32 $0xFFFFFC00  }
0x1a: {  	v1 =	vld [tilespmem:$0x7210]  }
0x1b: {  	v2 =	vld [tilespmem:$0x7220]  }
0x1c: {  	v3 =	vld [tilespmem:$0x7230]  }
0x1d: {  	s19 =	simm.s32 $0x0;
	v4 =	vld [tilespmem:$0x7240]  }
.LBB2_2:
0x1e: {  	s20 =	sshll.u32 s19, $0x7  }
0x1f: {  	[tilespmem:s15], [sflag:$0x1] =	stream.indirect.gather [hbm4b:s5+s14], $0x40, s20, s14, $0xb8;
	[tilespmem:$0x7610] =	vst v63  }
0x20: {  	_ =	swait.ge [sflag:s13], $0x2000  }
0x21: {  	[sflag:s13] =	ssyncset.done $0x0  }
0x22: {  	s21 =	simm.s32 $0x0;
	s22 =	smov.u32 s18;
	[sflag:s13] =	ssyncadd.s32 $0xFFFFE000  }
.LBB2_3:
0x23: {  	v5 =	vld [tilespmem:s22+$0x0];
	_ =	sdelay $0x3  }
0x24: {  	s23 =	sshra.s32 s21, $0x2  }
0x25: {  	v7 =	vld [tilespmem:s23+$0x3200];
	v10 =	vbroadcast v5, $0x0;
	v19 =	vbroadcast v5, $0x1  }
0x26: {  	v8 =	vld [tilespmem:s23+$0x3210];
	v6 =	vsub.f32 $1.000000000e+00, v5;
	v27 =	vbroadcast v5, $0x2;
	v35 =	vbroadcast v5, $0x3  }
0x27: {  	v9 =	vld [tilespmem:s23+$0x3220];
	v58 =	vbroadcast v5, $0x4;
	v54 =	vbroadcast v5, $0x6  }
0x28: {  	v12 =	vld [tilespmem:s23+$0x3230];
	v11 =	vbroadcast v6, $0x0;
	v13 =	vmul.f32 v10, v1  }
0x29: {  	v14 =	vld [tilespmem:s23+$0x3240];
	v15 =	vmul.f32 v10, v2;
	v17 =	vmul.f32 v10, v3  }
0x2a: {  	v16 =	vld [tilespmem:s23+$0x3250];
	v20 =	vbroadcast v6, $0x1;
	v10 =	vmul.f32 v10, v4  }
0x2b: {  	v18 =	vld [tilespmem:s23+$0x3260];
	v21 =	vmul.f32 v19, v1;
	v23 =	vmul.f32 v19, v2  }
0x2c: {  	v55 =	vld [tilespmem:s23+$0x3270];
	v25 =	vmul.f32 v19, v3;
	v28 =	vbroadcast v6, $0x2  }
0x2d: {  	v22 =	vld [tilespmem:s23+$0x3280];
	v19 =	vmul.f32 v19, v4;
	v29 =	vmul.f32 v27, v1  }
0x2e: {  	v24 =	vld [tilespmem:s23+$0x3290];
	v31 =	vmul.f32 v27, v2;
	v33 =	vmul.f32 v27, v3  }
0x2f: {  	v26 =	vld [tilespmem:s23+$0x32A0];
	v36 =	vbroadcast v6, $0x3;
	v27 =	vmul.f32 v27, v4  }
0x30: {  	v56 =	vld [tilespmem:s23+$0x32B0];
	v37 =	vmul.f32 v35, v1;
	v39 =	vmul.f32 v35, v2  }
0x31: {  	v30 =	vld [tilespmem:s23+$0x32C0];
	v42 =	vbroadcast v6, $0x4;
	v43 =	vbroadcast v6, $0x5  }
0x32: {  	v32 =	vld [tilespmem:s23+$0x32D0];
	v45 =	vmul.f32 v58, v4;
	v7 =	vmul.f32 v11, v7  }
0x33: {  	v34 =	vld [tilespmem:s23+$0x32E0];
	v8 =	vmul.f32 v8, v11;
	v9 =	vmul.f32 v9, v11  }
0x34: {  	v59 =	vld [tilespmem:s23+$0x3330];
	v11 =	vmul.f32 v12, v11;
	v14 =	vmul.f32 v14, v20  }
0x35: {  	v61 =	vld [tilespmem:s23+$0x3340];
	v16 =	vmul.f32 v16, v20;
	v18 =	vmul.f32 v18, v20  }
0x36: {  	v62 =	vld [tilespmem:s23+$0x3350];
	v12 =	vmul.f32 v55, v20;
	v22 =	vmul.f32 v22, v28  }
0x37: {  	v24 =	vmul.f32 v24, v28;
	v26 =	vmul.f32 v26, v28  }
0x38: {  	v38 =	vld [tilespmem:s23+$0x3300];
	v20 =	vmul.f32 v56, v28;
	v30 =	vmul.f32 v30, v36  }
0x39: {  	v41 =	vld [tilespmem:s23+$0x3320];
	v32 =	vmul.f32 v32, v36;
	v34 =	vmul.f32 v34, v36  }
0x3a: {  	v46 =	vmul.f32 v59, v42;
	v28 =	vmul.f32 v61, v43;
	v7 =	vadd.f32 v7, v13  }
0x3b: {  	v47 =	vld [tilespmem:s23+$0x3370];
	v50 =	vmul.f32 v62, v43;
	v55 =	vbroadcast v6, $0x6;
	v8 =	vadd.f32 v8, v15  }
0x3c: {  	v62 =	vbroadcast v5, $0x7;
	v13 =	vmul.f32 v35, v3;
	v60 =	vadd.f32 v11, v10;
	[tilespmem:s23+$0x5200] =	vst v7  }
0x3d: {  	v57 =	vld [tilespmem:s23+$0x32F0];
	v10 =	vmul.f32 v58, v1;
	v11 =	vmul.f32 v38, v42;
	v7 =	vadd.f32 v9, v17;
	[tilespmem:s23+$0x5210] =	vst v8  }
0x3e: {  	v63 =	vadd.f32 v16, v23;
	v16 =	vmul.f32 v58, v3;
	v23 =	vmul.f32 v41, v42;
	[tilespmem:s23+$0x5230] =	vst v60  }
0x3f: {  	v41 =	vbroadcast v5, $0x5;
	v44 =	vadd.f32 v12, v19;
	[tilespmem:s23+$0x5220] =	vst v7;
	v7 =	vadd.f32 v14, v21  }
0x40: {  	v40 =	vld [tilespmem:s23+$0x3310];
	v49 =	vadd.f32 v24, v31;
	v19 =	vmul.f32 v47, v43;
	v38 =	vmul.f32 v54, v4;
	[tilespmem:s23+$0x5250] =	vst v63  }
0x41: {  	v56 =	vld [tilespmem:s23+$0x33B0];
	v31 =	vbroadcast v5, $0xB;
	v9 =	vmul.f32 v35, v4;
	[tilespmem:s23+$0x5240] =	vst v7;
	v7 =	vadd.f32 v18, v25  }
0x42: {  	v52 =	vld [tilespmem:s23+$0x33A0];
	v53 =	vadd.f32 v20, v27;
	v17 =	vmul.f32 v57, v36;
	[tilespmem:s23+$0x5270] =	vst v44;
	v24 =	vmul.f32 v41, v2  }
0x43: {  	v59 =	vld [tilespmem:s23+$0x33D0];
	v57 =	vadd.f32 v32, v39;
	v63 =	vbroadcast v6, $0x7;
	[tilespmem:s23+$0x5260] =	vst v7;
	v7 =	vadd.f32 v22, v29  }
0x44: {  	v48 =	vld [tilespmem:s23+$0x3380];
	[tilespmem:s23+$0x5290] =	vst v49;
	v44 =	vadd.f32 v46, v45;
	v45 =	vmul.f32 v62, v2;
	v35 =	vbroadcast v5, $0x9  }
0x45: {  	v47 =	vld [tilespmem:s23+$0x3410];
	v36 =	vbroadcast v6, $0x9;
	v32 =	vbroadcast v6, $0xB;
	[tilespmem:s23+$0x5280] =	vst v7;
	v7 =	vadd.f32 v26, v33  }
0x46: {  	v61 =	vld [tilespmem:s23+$0x33E0];
	[tilespmem:s23+$0x52B0] =	vst v53;
	v39 =	vmul.f32 v56, v55;
	v14 =	vmul.f32 v58, v2  }
0x47: {  	v58 =	vld [tilespmem:s23+$0x33C0];
	v60 =	vadd.f32 v17, v9;
	v17 =	vmul.f32 v52, v55;
	[tilespmem:s23+$0x52A0] =	vst v7;
	v7 =	vadd.f32 v30, v37  }
0x48: {  	[tilespmem:s23+$0x52D0] =	vst v57;
	v46 =	vmul.f32 v59, v63;
	v52 =	vbroadcast v6, $0x8;
	v59 =	vld [tilespmem:s23+$0x3450]  }
0x49: {  	v21 =	vmul.f32 v40, v42;
	v40 =	vld [tilespmem:s23+$0x3360];
	v9 =	vmul.f32 v54, v3;
	[tilespmem:s23+$0x52C0] =	vst v7;
	v7 =	vadd.f32 v34, v13  }
0x4a: {  	[tilespmem:s23+$0x5330] =	vst v44;
	v18 =	vmul.f32 v41, v4;
	v27 =	vmul.f32 v47, v52;
	v44 =	vadd.f32 v46, v45  }
0x4b: {  	v51 =	vld [tilespmem:s23+$0x3390];
	v45 =	vmul.f32 v35, v2;
	v22 =	vmul.f32 v41, v1;
	[tilespmem:s23+$0x52E0] =	vst v7;
	v7 =	vadd.f32 v11, v10  }
0x4c: {  	v50 =	vadd.f32 v50, v24;
	[tilespmem:s23+$0x52F0] =	vst v60;
	v29 =	vmul.f32 v48, v55;
	v48 =	vmul.f32 v61, v63  }
0x4d: {  	v53 =	vld [tilespmem:s23+$0x3430];
	v42 =	vmul.f32 v58, v63;
	v46 =	vmul.f32 v59, v36;
	[tilespmem:s23+$0x5300] =	vst v7;
	v7 =	vadd.f32 v23, v16  }
0x4e: {  	[tilespmem:s23+$0x5350] =	vst v50;
	v26 =	vmul.f32 v41, v3;
	v33 =	vmul.f32 v40, v43;
	v43 =	vld [tilespmem:s23+$0x3400]  }
0x4f: {  	v40 =	vld [tilespmem:s23+$0x33F0];
	v41 =	vmul.f32 v62, v1;
	v30 =	vmul.f32 v54, v1;
	[tilespmem:s23+$0x5320] =	vst v7;
	v7 =	vadd.f32 v28, v22  }
0x50: {  	[tilespmem:s23+$0x53D0] =	vst v44;
	v37 =	vadd.f32 v21, v14;
	v13 =	vmul.f32 v54, v2;
	v34 =	vmul.f32 v51, v55  }
0x51: {  	v47 =	vld [tilespmem:s23+$0x3490];
	v51 =	vbroadcast v5, $0x8;
	v54 =	vadd.f32 v19, v18;
	[tilespmem:s23+$0x5340] =	vst v7;
	v7 =	vadd.f32 v33, v26  }
0x52: {  	v49 =	vld [tilespmem:s23+$0x3420];
	[tilespmem:s23+$0x5310] =	vst v37;
	v37 =	vadd.f32 v39, v38;
	v39 =	vmul.f32 v53, v52;
	v53 =	vbroadcast v6, $0xA  }
0x53: {  	v50 =	vld [tilespmem:s23+$0x34A0];
	v56 =	vmul.f32 v43, v52;
	v10 =	vmul.f32 v62, v4;
	[tilespmem:s23+$0x5360] =	vst v7;
	v7 =	vadd.f32 v29, v30  }
0x54: {  	v11 =	vmul.f32 v40, v63;
	v55 =	vmul.f32 v51, v1;
	[tilespmem:s23+$0x5370] =	vst v54;
	v63 =	vld [tilespmem:s23+$0x3460]  }
0x55: {  	v58 =	vmul.f32 v51, v2;
	v61 =	vmul.f32 v51, v3;
	v54 =	vld [tilespmem:s23+$0x34B0];
	[tilespmem:s23+$0x5380] =	vst v7;
	v7 =	vadd.f32 v17, v9  }
0x56: {  	v60 =	vadd.f32 v34, v13;
	v38 =	vmul.f32 v51, v4;
	[tilespmem:s23+$0x53B0] =	vst v37;
	v25 =	vmul.f32 v47, v53;
	v34 =	vld [tilespmem:s23+$0x34F0]  }
0x57: {  	v47 =	vbroadcast v6, $0xC;
	v22 =	vmul.f32 v62, v3;
	[tilespmem:s23+$0x53A0] =	vst v7;
	v7 =	vadd.f32 v42, v41  }
0x58: {  	v57 =	vld [tilespmem:s23+$0x3440];
	[tilespmem:s23+$0x5390] =	vst v60;
	v51 =	vadd.f32 v11, v10;
	v62 =	vmul.f32 v49, v52;
	v52 =	vbroadcast v5, $0xA  }
0x59: {  	v44 =	vld [tilespmem:s23+$0x3520];
	v49 =	vmul.f32 v63, v36;
	v63 =	vmul.f32 v50, v53;
	[tilespmem:s23+$0x53C0] =	vst v7;
	v7 =	vadd.f32 v48, v22  }
0x5a: {  	v43 =	vld [tilespmem:s23+$0x3480];
	[tilespmem:s23+$0x53F0] =	vst v51;
	v59 =	vmul.f32 v52, v2;
	v33 =	vadd.f32 v46, v45;
	v46 =	vbroadcast v5, $0xC  }
0x5b: {  	v40 =	vld [tilespmem:s23+$0x3470];
	v11 =	vmul.f32 v54, v53;
	v12 =	vmul.f32 v34, v32;
	[tilespmem:s23+$0x53E0] =	vst v7;
	v7 =	vadd.f32 v56, v55  }
0x5c: {  	v60 =	vld [tilespmem:s23+$0x34D0];
	v10 =	vmul.f32 v52, v4;
	[tilespmem:s23+$0x5450] =	vst v33;
	v45 =	vadd.f32 v25, v59;
	v51 =	vmul.f32 v46, v1  }
0x5d: {  	v30 =	vld [tilespmem:s23+$0x34E0];
	v41 =	vmul.f32 v35, v1;
	v42 =	vmul.f32 v57, v36;
	[tilespmem:s23+$0x5400] =	vst v7;
	v7 =	vadd.f32 v62, v61  }
0x5e: {  	v50 =	vadd.f32 v11, v10;
	v54 =	vmul.f32 v46, v2;
	v59 =	vmul.f32 v44, v47;
	[tilespmem:s23+$0x5490] =	vst v45  }
0x5f: {  	v37 =	vld [tilespmem:s23+$0x3500];
	v24 =	vmul.f32 v46, v4;
	v48 =	vmul.f32 v35, v3;
	[tilespmem:s23+$0x5420] =	vst v7;
	v7 =	vadd.f32 v42, v41  }
0x60: {  	v9 =	vmul.f32 v35, v4;
	v17 =	vmul.f32 v40, v36;
	[tilespmem:s23+$0x54B0] =	vst v50;
	v55 =	vadd.f32 v27, v58;
	v58 =	vld [tilespmem:s23+$0x34C0]  }
0x61: {  	v57 =	vmul.f32 v43, v53;
	v56 =	vmul.f32 v52, v1;
	[tilespmem:s23+$0x5440] =	vst v7;
	v7 =	vadd.f32 v49, v48  }
0x62: {  	v40 =	vmul.f32 v60, v32;
	v43 =	vmul.f32 v30, v32;
	[tilespmem:s23+$0x5410] =	vst v55;
	v61 =	vadd.f32 v39, v38  }
0x63: {  	v35 =	vmul.f32 v31, v1;
	v62 =	vmul.f32 v52, v3;
	v41 =	vld [tilespmem:s23+$0x3510];
	[tilespmem:s23+$0x5460] =	vst v7;
	v7 =	vadd.f32 v57, v56  }
0x64: {  	v38 =	vadd.f32 v17, v9;
	v39 =	vmul.f32 v31, v2;
	v52 =	vmul.f32 v37, v47;
	[tilespmem:s23+$0x5430] =	vst v61  }
0x65: {  	v42 =	vmul.f32 v31, v3;
	v36 =	vmul.f32 v58, v32;
	v49 =	vld [tilespmem:s23+$0x3530];
	[tilespmem:s23+$0x5480] =	vst v7;
	v7 =	vadd.f32 v63, v62  }
0x66: {  	v26 =	vld [tilespmem:s23+$0x3570];
	[tilespmem:s23+$0x5470] =	vst v38;
	v61 =	vbroadcast v5, $0xD;
	v48 =	vmul.f32 v31, v4;
	v57 =	vadd.f32 v40, v39  }
0x67: {  	v33 =	vld [tilespmem:s23+$0x3590];
	v38 =	vbroadcast v5, $0xE;
	v5 =	vbroadcast v5, $0xF;
	[tilespmem:s23+$0x54A0] =	vst v7;
	v7 =	vadd.f32 v36, v35  }
0x68: {  	v53 =	vld [tilespmem:s23+$0x3540];
	v58 =	vmul.f32 v46, v3;
	v55 =	vmul.f32 v41, v47;
	[tilespmem:s23+$0x54D0] =	vst v57;
	v63 =	vadd.f32 v12, v48  }
0x69: {  	v29 =	vld [tilespmem:s23+$0x3580];
	v27 =	vmul.f32 v61, v1;
	v31 =	vmul.f32 v61, v2;
	[tilespmem:s23+$0x54C0] =	vst v7;
	v7 =	vadd.f32 v43, v42  }
0x6a: {  	v60 =	vld [tilespmem:s23+$0x3560];
	v39 =	vbroadcast v6, $0xE;
	v25 =	vmul.f32 v49, v47;
	v30 =	vadd.f32 v55, v54;
	[tilespmem:s23+$0x54F0] =	vst v63  }
0x6b: {  	v34 =	vmul.f32 v61, v3;
	v56 =	vld [tilespmem:s23+$0x3550];
	v62 =	vbroadcast v6, $0xD;
	[tilespmem:s23+$0x54E0] =	vst v7;
	v7 =	vadd.f32 v52, v51  }
0x6c: {  	v45 =	vld [tilespmem:s23+$0x35C0];
	v46 =	vmul.f32 v38, v2;
	v47 =	vmul.f32 v33, v39;
	[tilespmem:s23+$0x5510] =	vst v30;
	v37 =	vadd.f32 v25, v24  }
0x6d: {  	v44 =	vmul.f32 v38, v1;
	v48 =	vld [tilespmem:s23+$0x35D0];
	v28 =	vmul.f32 v53, v62;
	[tilespmem:s23+$0x5500] =	vst v7;
	v7 =	vadd.f32 v59, v58  }
0x6e: {  	v40 =	vmul.f32 v61, v4;
	v36 =	vld [tilespmem:s23+$0x35A0];
	v41 =	vmul.f32 v26, v62;
	v54 =	vadd.f32 v47, v46;
	[tilespmem:s23+$0x5530] =	vst v37  }
0x6f: {  	v50 =	vmul.f32 v38, v3;
	v35 =	vmul.f32 v60, v62;
	v42 =	vld [tilespmem:s23+$0x35B0];
	[tilespmem:s23+$0x5520] =	vst v7;
	v7 =	vadd.f32 v28, v27  }
0x70: {  	v6 =	vbroadcast v6, $0xF;
	v53 =	vld [tilespmem:s23+$0x35F0];
	v32 =	vmul.f32 v56, v62;
	v49 =	vadd.f32 v41, v40;
	[tilespmem:s23+$0x5590] =	vst v54  }
0x71: {  	v61 =	vmul.f32 v5, v3;
	v16 =	vmul.f32 v29, v39;
	v52 =	vld [tilespmem:s23+$0x35E0];
	[tilespmem:s23+$0x5540] =	vst v7;
	v7 =	vadd.f32 v35, v34  }
0x72: {  	v43 =	vadd.f32 v32, v31;
	v60 =	vmul.f32 v48, v6;
	[tilespmem:s23+$0x5570] =	vst v49;
	v59 =	vmul.f32 v5, v2  }
0x73: {  	v12 =	vmul.f32 v38, v4;
	v51 =	vmul.f32 v36, v39;
	[tilespmem:s23+$0x5560] =	vst v7;
	v7 =	vadd.f32 v16, v44  }
0x74: {  	v57 =	vmul.f32 v45, v6;
	[tilespmem:s23+$0x5550] =	vst v43;
	v55 =	vmul.f32 v42, v39;
	v63 =	vadd.f32 v60, v59  }
0x75: {  	v56 =	vmul.f32 v5, v1;
	v5 =	vmul.f32 v5, v4;
	[tilespmem:s23+$0x5580] =	vst v7;
	v7 =	vadd.f32 v51, v50  }
0x76: {  	p0 =	sne.s32 s21, $0x7000;
	v58 =	vadd.f32 v55, v12;
	v62 =	vmul.f32 v52, v6;
	v6 =	vmul.f32 v53, v6;
	[tilespmem:s23+$0x55D0] =	vst v63  }
.Ltmp0:
0x77: {  	[tilespmem:s23+$0x55A0] =	vst v7;
	v7 =	vadd.f32 v57, v56;
	(pc) =	sbr.rel @p0 .LBB2_3-.Ltmp0, $4  }
0x78: {  	[tilespmem:s23+$0x55B0] =	vst v58;
	v5 =	vadd.f32 v6, v5  }
0x79: {  	[tilespmem:s23+$0x55C0] =	vst v7;
	v7 =	vadd.f32 v62, v61  }
0x7a: {  	[tilespmem:s23+$0x55F0] =	vst v5  }
0x7b: {  	s22 =	sadd.s32 $0x10, s22;
	s21 =	sadd.s32 $0x1000, s21;
	[tilespmem:s23+$0x55E0] =	vst v7  }
0x7c: {  	s20 =	sadd.s32 s4, s20;
	s19 =	sadd.s32 $0x1, s19  }
0x7d: {  	s20 =	sshll.u32 s20, $0x3;
	p0 =	sne.s32 s19, $0x32  }
.Ltmp1:
0x7e: {  	s20 =	sadd.s32 s2, s20;
	(pc) =	sbr.rel @p0 .LBB2_2-.Ltmp1, $4  }
0x7f: {  	[hbm4b:s20+s3] =	stream.linear.scatter [tilespmem:s16], [sflag:$0x2], $0x2000, $0x38;
	[tilespmem:$0x7610] =	vst v63  }
0x80: {  	_ =	swait.ge [sflag:s9], $0x2000  }
0x81: {  	[sflag:s9] =	ssyncset.done $0x0  }
0x82: {  	s18 =	sadd.s32 $0x80, s18;
	[sflag:s9] =	ssyncadd.s32 $0xFFFFE000  }
0x83: {  	s17 =	sadd.s32 $0x1, s17  }
0x84: {  	p0 =	sne.s32 s17, s8  }
.Ltmp2:
0x85: {  	_ = 	snop;
	(pc) =	sbr.rel @p0 .LBB2_1-.Ltmp2, $1  }
0x86: {  	_ =	sdelay $0x3  }
0x87: {  	_ =	sfence.sel $0x180000  }
0x88: {  	[bflag:$0x0] =	sbarrier.arrive $0xFFFF  }
0x89: {  	p0 =	sne.s32 s0, $0x0;
	_ =	strace $0x90000047  }
0x8a: {  	s0 =	sadd.s32 @!p0 $0x100000, s1;
	[bflag:$0x2] =	sbarrier.arrive $0xFFFF  }
0x8b: {  	[sflag:s0] =	ssyncadd.tile.s32 @!p0 $0x1;
	_ =	shalt  }
.Lfunc_end2:
_tile_overlayer_lowered:
.L_overlay_start_2:
0x8c: {  	(tag) =	ssettag $0x2  }
0x8d: {  	s0 =	rddreg [dreg:$0x0];
	s2 =	stileid.u32  }
0x8e: {  	s1 =	rddreg [dreg:$0x1];
	p0 =	sne.s32 s2, $0x0  }
0x8f: {  	s3 =	rddreg [dreg:$0x2];
	[bflag:$0x3] =	sbarrier.arrive $0xFFFF;
	s2 =	simm.s32 @!p0 $0x1C02  }
0x90: {  	[timem:s3], [sflag:s2] =	dma.local @!p0 [hbm:s0], s1  }
0x91: {  	s0 =	simm.s32 @!p0 $0x2  }
0x92: {  	_ =	swait.ge @!p0 [sflag:s0], s1  }
0x93: {  	s1 =	ssub.s32 @!p0 $0x0, s1;
	[sflag:s0] =	ssyncset.done @!p0 $0x0  }
0x94: {  	[sflag:s0] =	ssyncadd.s32 @!p0 s1  }
0x95: {  	[bflag:$0x3] =	sbarrier.arrive $0xFFFF  }
0x96: {  	_ =	shalt  }

</sc_bundles>
